<compile_context>
chip_gen: v7x
topology: tpu7x:2x2x1
jax: 0.10.2.dev20260603
libtpu: 0.0.44.dev20260713+nightly
codegen_flags: <defaults>
</compile_context>

<pallas_src>
import functools

import jax
import jax.numpy as jnp
from jax import lax
from jax.experimental import pallas as pl
from jax.experimental.pallas import tpu as pltpu
from jax.experimental.pallas import tpu_sc as plsc

N = 10000
NP = 10240
E = 320000
F = 128
NCLS = 40
DPAD = 48
DEGW = 16

NC, NS = 2, 16
NW = NC * NS
CH = 128
NCW = 79
NCHT = NW * NCW
EPAD = NCHT * CH - E
RPS = NP // NS


def _vmesh():
    return plsc.VectorSubcoreMesh(core_axis_name="c", subcore_axis_name="s")


_SC_PARAMS = pltpu.CompilerParams(use_tc_tiling_on_sc=False)



def _sc_degree(dst3d):

    ones_h = jnp.ones((CH, DEGW), jnp.float32)
    zeros_h = jnp.zeros((RPS, DEGW), jnp.float32)

    @functools.partial(
        pl.kernel,
        out_type=jax.ShapeDtypeStruct((NC * NP, DEGW), jnp.float32),
        mesh=_vmesh(),
        scratch_types=[
            pltpu.VMEM((NCW, CH), jnp.int32),
            pltpu.VMEM((CH, DEGW), jnp.float32),
            pltpu.VMEM_SHARED((NP, DEGW), jnp.float32),
        ],
        compiler_params=_SC_PARAMS,
    )
    def deg_kernel(dst_hbm, ones_hbm, zeros_hbm, out_hbm, didx, ones, acc):
        cid = lax.axis_index("c")
        sid = lax.axis_index("s")
        wid = cid * NS + sid

        pltpu.sync_copy(ones_hbm, ones)
        pltpu.sync_copy(zeros_hbm, acc.at[pl.ds(sid * RPS, RPS)])
        plsc.subcore_barrier()

        pltpu.sync_copy(dst_hbm.at[wid], didx)

        @pl.loop(0, NCW)
        def _(c):
            pltpu.sync_copy(ones, acc.at[didx.at[c]], add=True)

        plsc.subcore_barrier()
        pltpu.sync_copy(acc.at[pl.ds(sid * RPS, RPS)],
                        out_hbm.at[pl.ds(cid * NP + sid * RPS, RPS)])

    return deg_kernel(dst3d, ones_h, zeros_h)


def _sc_scatter(y, eidx, d):

    zeros_h = jnp.zeros((RPS, d), jnp.float32)

    @functools.partial(
        pl.kernel,
        out_type=jax.ShapeDtypeStruct((NC * NP, d), jnp.float32),
        mesh=_vmesh(),
        scratch_types=[
            pltpu.VMEM((2, CH), jnp.int32),
            pltpu.VMEM((2, CH), jnp.int32),
            pltpu.VMEM((CH, d), jnp.float32),
            pltpu.VMEM((CH, d), jnp.float32),
            pltpu.VMEM_SHARED((NP, d), jnp.float32),
            pltpu.SemaphoreType.DMA,
            pltpu.SemaphoreType.DMA,
            pltpu.SemaphoreType.DMA,
            pltpu.SemaphoreType.DMA,
        ],
        compiler_params=_SC_PARAMS,
    )
    def scatter_kernel(y_hbm, eidx_hbm, zeros_hbm, out_hbm,
                       ib0, ib1, rows0, rows1, acc, sg0, sg1, si0, si1):
        cid = lax.axis_index("c")
        sid = lax.axis_index("s")
        wid = cid * NS + sid
        base = wid * NCW

        pltpu.sync_copy(zeros_hbm, acc.at[pl.ds(sid * RPS, RPS)])
        plsc.subcore_barrier()

        pltpu.sync_copy(eidx_hbm.at[base], ib0)
        pltpu.async_copy(y_hbm.at[ib0.at[0]], rows0, sg0)
        pltpu.async_copy(eidx_hbm.at[base + 1], ib1, si1)

        @pl.loop(0, NCW // 2)
        def _(p):
            c = base + 2 * p
            pltpu.make_async_copy(eidx_hbm.at[base], ib1, si1).wait()
            pltpu.async_copy(y_hbm.at[ib1.at[0]], rows1, sg1)
            pltpu.make_async_copy(y_hbm.at[ib0.at[0]], rows0, sg0).wait()
            pltpu.sync_copy(rows0, acc.at[ib0.at[1]], add=True)
            pltpu.async_copy(eidx_hbm.at[c + 2], ib0, si0)
            pltpu.make_async_copy(eidx_hbm.at[base], ib0, si0).wait()
            pltpu.async_copy(y_hbm.at[ib0.at[0]], rows0, sg0)
            pltpu.make_async_copy(y_hbm.at[ib1.at[0]], rows1, sg1).wait()
            pltpu.sync_copy(rows1, acc.at[ib1.at[1]], add=True)
            pltpu.async_copy(eidx_hbm.at[c + 3], ib1, si1)

        pltpu.make_async_copy(y_hbm.at[ib0.at[0]], rows0, sg0).wait()
        pltpu.sync_copy(rows0, acc.at[ib0.at[1]], add=True)
        pltpu.make_async_copy(eidx_hbm.at[base], ib1, si1).wait()

        plsc.subcore_barrier()
        pltpu.sync_copy(acc.at[pl.ds(sid * RPS, RPS)],
                        out_hbm.at[pl.ds(cid * NP + sid * RPS, RPS)])

    return scatter_kernel(y, eidx, zeros_h)



BM = 2560
NBLK = NP // BM


def _norm_col(dlo_ref, dhi_ref):
    d = dlo_ref[...] + dhi_ref[...]
    return lax.rsqrt(jnp.maximum(d[:, 0:1], 1.0))


def _dot(a, b):
    return jnp.dot(a, b, preferred_element_type=jnp.float32)


def _tc_matmul(x, w):
    m, k = x.shape
    dout = w.shape[1]

    def body(x_ref, w_ref, o_ref):
        o_ref[...] = _dot(x_ref[...], w_ref[...])

    return pl.pallas_call(
        body,
        grid=(NBLK,),
        in_specs=[pl.BlockSpec((BM, k), lambda i: (i, 0)),
                  pl.BlockSpec((k, dout), lambda i: (0, 0))],
        out_specs=pl.BlockSpec((BM, dout), lambda i: (i, 0)),
        out_shape=jax.ShapeDtypeStruct((m, dout), jnp.float32),
    )(x, w)


def _deg_specs():
    return [pl.BlockSpec((BM, DEGW), lambda i: (i, 0)),
            pl.BlockSpec((BM, DEGW), lambda i: (i + NBLK, 0))]


def _tc_scale(degp, z):

    def body(dlo, dhi, z_ref, o_ref):
        o_ref[...] = z_ref[...] * _norm_col(dlo, dhi)

    return pl.pallas_call(
        body,
        grid=(NBLK,),
        in_specs=_deg_specs() + [pl.BlockSpec((BM, F), lambda i: (i, 0))],
        out_specs=pl.BlockSpec((BM, F), lambda i: (i, 0)),
        out_shape=jax.ShapeDtypeStruct((N, F), jnp.float32),
    )(degp, degp, z)


def _tc_mid(degp, p, b, w):
    dout = w.shape[1]

    def body(dlo, dhi, plo, phi, b_ref, w_ref, o_ref):
        n = _norm_col(dlo, dhi)
        t = jax.nn.relu(n * (plo[...] + phi[...]) + b_ref[...])
        o_ref[...] = _dot(n * t, w_ref[...])

    return pl.pallas_call(
        body,
        grid=(NBLK,),
        in_specs=_deg_specs() + [
            pl.BlockSpec((BM, F), lambda i: (i, 0)),
            pl.BlockSpec((BM, F), lambda i: (i + NBLK, 0)),
            pl.BlockSpec((1, F), lambda i: (0, 0)),
            pl.BlockSpec((F, dout), lambda i: (0, 0))],
        out_specs=pl.BlockSpec((BM, dout), lambda i: (i, 0)),
        out_shape=jax.ShapeDtypeStruct((N, dout), jnp.float32),
    )(degp, degp, p, p, b, w)


def _tc_final(degp, p, b):

    def body(dlo, dhi, plo, phi, b_ref, o_ref):
        n = _norm_col(dlo, dhi)
        o_ref[...] = (n * (plo[...] + phi[...]) + b_ref[...])[:, :NCLS]

    return pl.pallas_call(
        body,
        grid=(NBLK,),
        in_specs=_deg_specs() + [
            pl.BlockSpec((BM, DPAD), lambda i: (i, 0)),
            pl.BlockSpec((BM, DPAD), lambda i: (i + NBLK, 0)),
            pl.BlockSpec((1, DPAD), lambda i: (0, 0))],
        out_specs=pl.BlockSpec((BM, NCLS), lambda i: (i, 0)),
        out_shape=jax.ShapeDtypeStruct((N, NCLS), jnp.float32),
    )(degp, degp, p, p, b)



def kernel(edge_index, features, W0, b0, W1, b1, W2, b2):
    ei = edge_index.astype(jnp.int32)
    r = jnp.arange(EPAD, dtype=jnp.int32)
    pad = jnp.stack([r % N, N + r % (NP - N)])
    full = jnp.concatenate([ei, pad], axis=1)
    eidx = full.reshape(2, NCHT, CH).transpose(1, 0, 2)
    eidx = jnp.pad(eidx, ((0, 1), (0, 0), (0, 0)))
    dst3d = full[1].reshape(NW, NCW, CH)

    degp = _sc_degree(dst3d)
    z0 = _tc_matmul(features, W0)
    y0 = _tc_scale(degp, z0)

    p0 = _sc_scatter(y0, eidx, F)
    y1 = _tc_mid(degp, p0, b0.reshape(1, F), W1)

    p1 = _sc_scatter(y1, eidx, F)
    w2p = jnp.pad(W2, ((0, 0), (0, DPAD - NCLS)))
    y2 = _tc_mid(degp, p1, b1.reshape(1, F), w2p)

    p2 = _sc_scatter(y2, eidx, DPAD)
    return _tc_final(degp, p2, jnp.pad(b2, (0, DPAD - NCLS)).reshape(1, DPAD))

# --- scband reference (transcript-rebuilt; emitter-appended) ---
"""Pipeline reference for scband-egl-gcn-20220706030037 (READ-ONLY COPY).

The authoritative reference and input builder live on the scoring server;
editing this copy changes nothing except your own understanding.
"""

import jax, jax.numpy as jnp
import numpy as np

N_NODES = 10000
N_EDGES = 320000
IN_FEATS = 128
N_HIDDEN = 128
N_CLASSES = 40


def setup_inputs(seed: int = 0) -> dict:
    key = jax.random.key(seed)
    k1, k2, k3, k4, k5 = jax.random.split(key, 5)
    features = jax.random.normal(k1, (N_NODES, IN_FEATS), dtype=jnp.float32)
    edge_index = jax.random.randint(k2, (2, N_EDGES), 0, N_NODES, dtype=jnp.int64)
    def glorot(k, fan_in, fan_out):
        lim = jnp.sqrt(6.0 / (fan_in + fan_out))
        return jax.random.uniform(k, (fan_in, fan_out), minval=-lim, maxval=lim, dtype=jnp.float32)
    W0 = glorot(k3, IN_FEATS, N_HIDDEN)
    b0 = jnp.zeros((N_HIDDEN,), dtype=jnp.float32)
    W1 = glorot(k4, N_HIDDEN, N_HIDDEN)
    b1 = jnp.zeros((N_HIDDEN,), dtype=jnp.float32)
    W2 = glorot(k5, N_HIDDEN, N_CLASSES)
    b2 = jnp.zeros((N_CLASSES,), dtype=jnp.float32)
    return {"edge_index": edge_index, "features": features,
            "W0": W0, "b0": b0, "W1": W1, "b1": b1, "W2": W2, "b2": b2}


def _gcn_layer(x, src, dst, norm, W, b, act):
    # GraphConv: h = norm * (A^T (norm * x)) @ W + b, optional activation
    h = x * norm[:, None]
    msg = jnp.take(h, src, axis=0)                      # gather over edges
    agg = jnp.zeros((x.shape[0], x.shape[1]), dtype=x.dtype).at[dst].add(msg)  # scatter-add
    agg = agg * norm[:, None]
    out = agg @ W + b
    if act:
        out = jax.nn.relu(out)
    return out


def reference(edge_index, features, W0, b0, W1, b1, W2, b2):
    src = edge_index[0]
    dst = edge_index[1]
    n = features.shape[0]
    deg = jnp.zeros((n,), dtype=jnp.float32).at[dst].add(1.0)
    deg = jnp.clip(deg, 1.0, None)
    norm = deg ** -0.5
    h = _gcn_layer(features, src, dst, norm, W0, b0, True)
    h = _gcn_layer(h, src, dst, norm, W1, b1, True)
    h = _gcn_layer(h, src, dst, norm, W2, b2, False)
    return h

if __name__ == "__main__":
    import jax
    _d = setup_inputs()
    print(jax.jit(kernel)(*tuple(_d.values())))

</pallas_src>

<mosaic_0001>
#map = affine_map<(d0, d1) -> (0, 0)>
#map1 = affine_map<(d0, d1) -> (0, 0, 0)>
module attributes {stable_mosaic.version = 14 : i64} {
  func.func @scatter_kernel(%arg0: i32, %arg1: i32, %arg2: memref<10000x128xf32, #tpu.memory_space<hbm>>, %arg3: memref<2529x2x128xi32, #tpu.memory_space<hbm>>, %arg4: memref<640x128xf32, #tpu.memory_space<hbm>>, %arg5: memref<20480x128xf32, #tpu.memory_space<hbm>>, %arg6: memref<2x128xi32, #tpu.memory_space<vmem>>, %arg7: memref<2x128xi32, #tpu.memory_space<vmem>>, %arg8: memref<128x128xf32, #tpu.memory_space<vmem>>, %arg9: memref<128x128xf32, #tpu.memory_space<vmem>>, %arg10: memref<10240x128xf32, #tpu.memory_space<vmem_shared>>, %arg11: memref<!tpu.dma_semaphore, #tpu.memory_space<semaphore_mem>>, %arg12: memref<!tpu.dma_semaphore, #tpu.memory_space<semaphore_mem>>, %arg13: memref<!tpu.dma_semaphore, #tpu.memory_space<semaphore_mem>>, %arg14: memref<!tpu.dma_semaphore, #tpu.memory_space<semaphore_mem>>) attributes {dimension_semantics = [#tpu.dimension_semantics<core_parallel>, #tpu.dimension_semantics<subcore_parallel>], iteration_bounds = array<i64: 2, 16>, scalar_prefetch = 0 : i64, scratch_operands = 9 : i64, tpu.core_type = #tpu.core_type<sc_vector_subcore>, window_params = [{transform_indices = #map}, {transform_indices = #map1}, {transform_indices = #map}, {transform_indices = #map}]} {
    %mul3A = arith.constant 16 : i32
    %mul3A_0 = arith.muli %arg0, %mul3A : i32
    %add3A = arith.addi %mul3A_0, %arg1 : i32
    %mul3A_1 = arith.constant 79 : i32
    %mul3A_2 = arith.muli %add3A, %mul3A_1 : i32
    %mul3A_3 = arith.constant 640 : i32
    %mul3A_4 = arith.muli %arg1, %mul3A_3 : i32
    "tpu.region"() ({
      %run_scoped3A_47 = tpu.sem_alloc : memref<!tpu.dma_semaphore, #tpu.memory_space<semaphore_mem>>
      %dma_start3A_48 = arith.constant 0 : i32
      %dma_start3A_49 = tpu.memref_slice %arg10[%mul3A_4, %dma_start3A_48] : memref<10240x128xf32, #tpu.memory_space<vmem_shared>> -> memref<640x128xf32, #tpu.memory_space<vmem_shared>>
      tpu.enqueue_dma source(%arg4 : memref<640x128xf32, #tpu.memory_space<hbm>>) target(%dma_start3A_49 : memref<640x128xf32, #tpu.memory_space<vmem_shared>>) target_semaphore(%run_scoped3A_47 : memref<!tpu.dma_semaphore, #tpu.memory_space<semaphore_mem>>)
      %dma_wait3A_50 = arith.constant 0 : i32
      %dma_wait3A_51 = tpu.memref_slice %arg10[%mul3A_4, %dma_wait3A_50] : memref<10240x128xf32, #tpu.memory_space<vmem_shared>> -> memref<640x128xf32, #tpu.memory_space<vmem_shared>>
      tpu.wait_dma2 semaphore(%run_scoped3A_47 : memref<!tpu.dma_semaphore, #tpu.memory_space<semaphore_mem>>) src(%arg4 : memref<640x128xf32, #tpu.memory_space<hbm>>) dst(%dma_wait3A_51 : memref<640x128xf32, #tpu.memory_space<vmem_shared>>)
      tpu.yield
    }) : () -> ()
    %barrier3A = arith.constant 0 : index
    tpu.barrier barrier_id(%barrier3A)
    "tpu.region"() ({
      %run_scoped3A_47 = tpu.sem_alloc : memref<!tpu.dma_semaphore, #tpu.memory_space<semaphore_mem>>
      %dma_start3A_48 = arith.constant 0 : i32
      %dma_start3A_49 = arith.constant 0 : i32
      %dma_start3A_50 = tpu.memref_slice %arg3[%mul3A_2, %dma_start3A_48, %dma_start3A_49] : memref<2529x2x128xi32, #tpu.memory_space<hbm>> -> memref<1x2x128xi32, #tpu.memory_space<hbm>>
      %dma_start3A_51 = tpu.memref_squeeze %dma_start3A_50 : memref<1x2x128xi32, #tpu.memory_space<hbm>> -> memref<2x128xi32, #tpu.memory_space<hbm>>
      %dma_start3A_52 = arith.constant 0 : i32
      %dma_start3A_53 = arith.constant 0 : i32
      %dma_start3A_54 = tpu.memref_slice %arg3[%mul3A_2, %dma_start3A_52, %dma_start3A_53] : memref<2529x2x128xi32, #tpu.memory_space<hbm>> -> memref<1x2x128xi32, #tpu.memory_space<hbm>>
      %dma_start3A_55 = tpu.memref_squeeze %dma_start3A_54 : memref<1x2x128xi32, #tpu.memory_space<hbm>> -> memref<2x128xi32, #tpu.memory_space<hbm>>
      tpu.enqueue_dma source(%dma_start3A_55 : memref<2x128xi32, #tpu.memory_space<hbm>>) target(%arg6 : memref<2x128xi32, #tpu.memory_space<vmem>>) target_semaphore(%run_scoped3A_47 : memref<!tpu.dma_semaphore, #tpu.memory_space<semaphore_mem>>)
      %dma_wait3A_56 = arith.constant 0 : i32
      %dma_wait3A_57 = arith.constant 0 : i32
      %dma_wait3A_58 = tpu.memref_slice %arg3[%mul3A_2, %dma_wait3A_56, %dma_wait3A_57] : memref<2529x2x128xi32, #tpu.memory_space<hbm>> -> memref<1x2x128xi32, #tpu.memory_space<hbm>>
      %dma_wait3A_59 = tpu.memref_squeeze %dma_wait3A_58 : memref<1x2x128xi32, #tpu.memory_space<hbm>> -> memref<2x128xi32, #tpu.memory_space<hbm>>
      %dma_wait3A_60 = arith.constant 0 : i32
      %dma_wait3A_61 = arith.constant 0 : i32
      %dma_wait3A_62 = tpu.memref_slice %arg3[%mul3A_2, %dma_wait3A_60, %dma_wait3A_61] : memref<2529x2x128xi32, #tpu.memory_space<hbm>> -> memref<1x2x128xi32, #tpu.memory_space<hbm>>
      %dma_wait3A_63 = tpu.memref_squeeze %dma_wait3A_62 : memref<1x2x128xi32, #tpu.memory_space<hbm>> -> memref<2x128xi32, #tpu.memory_space<hbm>>
      tpu.wait_dma2 semaphore(%run_scoped3A_47 : memref<!tpu.dma_semaphore, #tpu.memory_space<semaphore_mem>>) src(%dma_wait3A_63 : memref<2x128xi32, #tpu.memory_space<hbm>>) dst(%arg6 : memref<2x128xi32, #tpu.memory_space<vmem>>)
      tpu.yield
    }) : () -> ()
    %dma_start3A = arith.constant 0 : i32
    %dma_start3A_5 = arith.constant 0 : i32
    %dma_start3A_6 = tpu.memref_slice %arg6[%dma_start3A, %dma_start3A_5] : memref<2x128xi32, #tpu.memory_space<vmem>> -> memref<1x128xi32, #tpu.memory_space<vmem>>
    %dma_start3A_7 = tpu.memref_squeeze %dma_start3A_6 : memref<1x128xi32, #tpu.memory_space<vmem>> -> memref<128xi32, #tpu.memory_space<vmem>>
    %dma_start3A_8 = arith.constant 0 : i32
    %dma_start3A_9 = arith.constant 0 : i32
    %dma_start3A_10 = tpu.memref_slice %arg2[%dma_start3A_8, %dma_start3A_9] : memref<10000x128xf32, #tpu.memory_space<hbm>> -> memref<10000x128xf32, #tpu.memory_space<hbm>>
    tpu.enqueue_indirect_dma source(%dma_start3A_10 : memref<10000x128xf32, #tpu.memory_space<hbm>>) target(%arg8 : memref<128x128xf32, #tpu.memory_space<vmem>>) offsets(%dma_start3A_7 : memref<128xi32, #tpu.memory_space<vmem>>) semaphore(%arg11 : memref<!tpu.dma_semaphore, #tpu.memory_space<semaphore_mem>>)
    %add3A_11 = arith.constant 1 : i32
    %add3A_12 = arith.addi %mul3A_2, %add3A_11 : i32
    %dma_start3A_13 = arith.constant 0 : i32
    %dma_start3A_14 = arith.constant 0 : i32
    %dma_start3A_15 = tpu.memref_slice %arg3[%add3A_12, %dma_start3A_13, %dma_start3A_14] : memref<2529x2x128xi32, #tpu.memory_space<hbm>> -> memref<1x2x128xi32, #tpu.memory_space<hbm>>
    %dma_start3A_16 = tpu.memref_squeeze %dma_start3A_15 : memref<1x2x128xi32, #tpu.memory_space<hbm>> -> memref<2x128xi32, #tpu.memory_space<hbm>>
    %dma_start3A_17 = arith.constant 0 : i32
    %dma_start3A_18 = arith.constant 0 : i32
    %dma_start3A_19 = tpu.memref_slice %arg3[%add3A_12, %dma_start3A_17, %dma_start3A_18] : memref<2529x2x128xi32, #tpu.memory_space<hbm>> -> memref<1x2x128xi32, #tpu.memory_space<hbm>>
    %dma_start3A_20 = tpu.memref_squeeze %dma_start3A_19 : memref<1x2x128xi32, #tpu.memory_space<hbm>> -> memref<2x128xi32, #tpu.memory_space<hbm>>
    tpu.enqueue_dma source(%dma_start3A_20 : memref<2x128xi32, #tpu.memory_space<hbm>>) target(%arg7 : memref<2x128xi32, #tpu.memory_space<vmem>>) target_semaphore(%arg14 : memref<!tpu.dma_semaphore, #tpu.memory_space<semaphore_mem>>)
    %scan3A = arith.constant 0 : i32
    %scan3A_21 = arith.constant 39 : i32
    %scan3A_22 = arith.addi %scan3A, %scan3A_21 : i32
    %scan3A_23 = arith.constant 1 : i32
    scf.for %scan3A_47 = %scan3A to %scan3A_22 step %scan3A_23  : i32 {
      %mul3A_48 = arith.constant 1 : i32
      %mul3A_49 = arith.muli %scan3A_47, %mul3A_48 : i32
      %add3A_50 = arith.constant 0 : i32
      %add3A_51 = arith.addi %add3A_50, %mul3A_49 : i32
      %mul3A_52 = arith.constant 2 : i32
      %mul3A_53 = arith.muli %mul3A_52, %add3A_51 : i32
      %add3A_54 = arith.addi %mul3A_2, %mul3A_53 : i32
      %dma_wait3A_55 = arith.constant 0 : i32
      %dma_wait3A_56 = arith.constant 0 : i32
      %dma_wait3A_57 = tpu.memref_slice %arg3[%mul3A_2, %dma_wait3A_55, %dma_wait3A_56] : memref<2529x2x128xi32, #tpu.memory_space<hbm>> -> memref<1x2x128xi32, #tpu.memory_space<hbm>>
      %dma_wait3A_58 = tpu.memref_squeeze %dma_wait3A_57 : memref<1x2x128xi32, #tpu.memory_space<hbm>> -> memref<2x128xi32, #tpu.memory_space<hbm>>
      %dma_wait3A_59 = arith.constant 0 : i32
      %dma_wait3A_60 = arith.constant 0 : i32
      %dma_wait3A_61 = tpu.memref_slice %arg3[%mul3A_2, %dma_wait3A_59, %dma_wait3A_60] : memref<2529x2x128xi32, #tpu.memory_space<hbm>> -> memref<1x2x128xi32, #tpu.memory_space<hbm>>
      %dma_wait3A_62 = tpu.memref_squeeze %dma_wait3A_61 : memref<1x2x128xi32, #tpu.memory_space<hbm>> -> memref<2x128xi32, #tpu.memory_space<hbm>>
      tpu.wait_dma2 semaphore(%arg14 : memref<!tpu.dma_semaphore, #tpu.memory_space<semaphore_mem>>) src(%dma_wait3A_62 : memref<2x128xi32, #tpu.memory_space<hbm>>) dst(%arg7 : memref<2x128xi32, #tpu.memory_space<vmem>>)
      %dma_start3A_63 = arith.constant 0 : i32
      %dma_start3A_64 = arith.constant 0 : i32
      %dma_start3A_65 = tpu.memref_slice %arg7[%dma_start3A_63, %dma_start3A_64] : memref<2x128xi32, #tpu.memory_space<vmem>> -> memref<1x128xi32, #tpu.memory_space<vmem>>
      %dma_start3A_66 = tpu.memref_squeeze %dma_start3A_65 : memref<1x128xi32, #tpu.memory_space<vmem>> -> memref<128xi32, #tpu.memory_space<vmem>>
      %dma_start3A_67 = arith.constant 0 : i32
      %dma_start3A_68 = arith.constant 0 : i32
      %dma_start3A_69 = tpu.memref_slice %arg2[%dma_start3A_67, %dma_start3A_68] : memref<10000x128xf32, #tpu.memory_space<hbm>> -> memref<10000x128xf32, #tpu.memory_space<hbm>>
      tpu.enqueue_indirect_dma source(%dma_start3A_69 : memref<10000x128xf32, #tpu.memory_space<hbm>>) target(%arg9 : memref<128x128xf32, #tpu.memory_space<vmem>>) offsets(%dma_start3A_66 : memref<128xi32, #tpu.memory_space<vmem>>) semaphore(%arg12 : memref<!tpu.dma_semaphore, #tpu.memory_space<semaphore_mem>>)
      %dma_wait3A_70 = arith.constant 0 : i32
      %dma_wait3A_71 = arith.constant 0 : i32
      %dma_wait3A_72 = tpu.memref_slice %arg6[%dma_wait3A_70, %dma_wait3A_71] : memref<2x128xi32, #tpu.memory_space<vmem>> -> memref<1x128xi32, #tpu.memory_space<vmem>>
      %dma_wait3A_73 = tpu.memref_squeeze %dma_wait3A_72 : memref<1x128xi32, #tpu.memory_space<vmem>> -> memref<128xi32, #tpu.memory_space<vmem>>
      %dma_wait3A_74 = arith.constant 0 : i32
      %dma_wait3A_75 = arith.constant 0 : i32
      %dma_wait3A_76 = tpu.memref_slice %arg2[%dma_wait3A_74, %dma_wait3A_75] : memref<10000x128xf32, #tpu.memory_space<hbm>> -> memref<10000x128xf32, #tpu.memory_space<hbm>>
      tpu.wait_indirect_dma semaphore(%arg11 : memref<!tpu.dma_semaphore, #tpu.memory_space<semaphore_mem>>) src(%dma_wait3A_76 : memref<10000x128xf32, #tpu.memory_space<hbm>>) dst(%arg8 : memref<128x128xf32, #tpu.memory_space<vmem>>)
      %run_scoped3A_77 = arith.constant 1 : i32
      "tpu.region"() ({
        %run_scoped3A_121 = tpu.sem_alloc : memref<!tpu.dma_semaphore, #tpu.memory_space<semaphore_mem>>
        %dma_start3A_122 = arith.constant 0 : i32
        %dma_start3A_123 = tpu.memref_slice %arg6[%run_scoped3A_77, %dma_start3A_122] : memref<2x128xi32, #tpu.memory_space<vmem>> -> memref<1x128xi32, #tpu.memory_space<vmem>>
        %dma_start3A_124 = tpu.memref_squeeze %dma_start3A_123 : memref<1x128xi32, #tpu.memory_space<vmem>> -> memref<128xi32, #tpu.memory_space<vmem>>
        %dma_start3A_125 = arith.constant 0 : i32
        %dma_start3A_126 = arith.constant 0 : i32
        %dma_start3A_127 = tpu.memref_slice %arg10[%dma_start3A_125, %dma_start3A_126] : memref<10240x128xf32, #tpu.memory_space<vmem_shared>> -> memref<10240x128xf32, #tpu.memory_space<vmem_shared>>
        tpu.enqueue_indirect_dma source(%arg8 : memref<128x128xf32, #tpu.memory_space<vmem>>) target(%dma_start3A_127 : memref<10240x128xf32, #tpu.memory_space<vmem_shared>>) offsets(%dma_start3A_124 : memref<128xi32, #tpu.memory_space<vmem>>) semaphore(%run_scoped3A_121 : memref<!tpu.dma_semaphore, #tpu.memory_space<semaphore_mem>>) {add = true}
        %dma_wait3A_128 = arith.constant 0 : i32
        %dma_wait3A_129 = tpu.memref_slice %arg6[%run_scoped3A_77, %dma_wait3A_128] : memref<2x128xi32, #tpu.memory_space<vmem>> -> memref<1x128xi32, #tpu.memory_space<vmem>>
        %dma_wait3A_130 = tpu.memref_squeeze %dma_wait3A_129 : memref<1x128xi32, #tpu.memory_space<vmem>> -> memref<128xi32, #tpu.memory_space<vmem>>
        %dma_wait3A_131 = arith.constant 0 : i32
        %dma_wait3A_132 = arith.constant 0 : i32
        %dma_wait3A_133 = tpu.memref_slice %arg10[%dma_wait3A_131, %dma_wait3A_132] : memref<10240x128xf32, #tpu.memory_space<vmem_shared>> -> memref<10240x128xf32, #tpu.memory_space<vmem_shared>>
        tpu.wait_indirect_dma semaphore(%run_scoped3A_121 : memref<!tpu.dma_semaphore, #tpu.memory_space<semaphore_mem>>) src(%arg8 : memref<128x128xf32, #tpu.memory_space<vmem>>) dst(%dma_wait3A_133 : memref<10240x128xf32, #tpu.memory_space<vmem_shared>>)
        tpu.yield
      }) : () -> ()
      %add3A_78 = arith.constant 2 : i32
      %add3A_79 = arith.addi %add3A_54, %add3A_78 : i32
      %dma_start3A_80 = arith.constant 0 : i32
      %dma_start3A_81 = arith.constant 0 : i32
      %dma_start3A_82 = tpu.memref_slice %arg3[%add3A_79, %dma_start3A_80, %dma_start3A_81] : memref<2529x2x128xi32, #tpu.memory_space<hbm>> -> memref<1x2x128xi32, #tpu.memory_space<hbm>>
      %dma_start3A_83 = tpu.memref_squeeze %dma_start3A_82 : memref<1x2x128xi32, #tpu.memory_space<hbm>> -> memref<2x128xi32, #tpu.memory_space<hbm>>
      %dma_start3A_84 = arith.constant 0 : i32
      %dma_start3A_85 = arith.constant 0 : i32
      %dma_start3A_86 = tpu.memref_slice %arg3[%add3A_79, %dma_start3A_84, %dma_start3A_85] : memref<2529x2x128xi32, #tpu.memory_space<hbm>> -> memref<1x2x128xi32, #tpu.memory_space<hbm>>
      %dma_start3A_87 = tpu.memref_squeeze %dma_start3A_86 : memref<1x2x128xi32, #tpu.memory_space<hbm>> -> memref<2x128xi32, #tpu.memory_space<hbm>>
      tpu.enqueue_dma source(%dma_start3A_87 : memref<2x128xi32, #tpu.memory_space<hbm>>) target(%arg6 : memref<2x128xi32, #tpu.memory_space<vmem>>) target_semaphore(%arg13 : memref<!tpu.dma_semaphore, #tpu.memory_space<semaphore_mem>>)
      %dma_wait3A_88 = arith.constant 0 : i32
      %dma_wait3A_89 = arith.constant 0 : i32
      %dma_wait3A_90 = tpu.memref_slice %arg3[%mul3A_2, %dma_wait3A_88, %dma_wait3A_89] : memref<2529x2x128xi32, #tpu.memory_space<hbm>> -> memref<1x2x128xi32, #tpu.memory_space<hbm>>
      %dma_wait3A_91 = tpu.memref_squeeze %dma_wait3A_90 : memref<1x2x128xi32, #tpu.memory_space<hbm>> -> memref<2x128xi32, #tpu.memory_space<hbm>>
      %dma_wait3A_92 = arith.constant 0 : i32
      %dma_wait3A_93 = arith.constant 0 : i32
      %dma_wait3A_94 = tpu.memref_slice %arg3[%mul3A_2, %dma_wait3A_92, %dma_wait3A_93] : memref<2529x2x128xi32, #tpu.memory_space<hbm>> -> memref<1x2x128xi32, #tpu.memory_space<hbm>>
      %dma_wait3A_95 = tpu.memref_squeeze %dma_wait3A_94 : memref<1x2x128xi32, #tpu.memory_space<hbm>> -> memref<2x128xi32, #tpu.memory_space<hbm>>
      tpu.wait_dma2 semaphore(%arg13 : memref<!tpu.dma_semaphore, #tpu.memory_space<semaphore_mem>>) src(%dma_wait3A_95 : memref<2x128xi32, #tpu.memory_space<hbm>>) dst(%arg6 : memref<2x128xi32, #tpu.memory_space<vmem>>)
      %dma_start3A_96 = arith.constant 0 : i32
      %dma_start3A_97 = arith.constant 0 : i32
      %dma_start3A_98 = tpu.memref_slice %arg6[%dma_start3A_96, %dma_start3A_97] : memref<2x128xi32, #tpu.memory_space<vmem>> -> memref<1x128xi32, #tpu.memory_space<vmem>>
      %dma_start3A_99 = tpu.memref_squeeze %dma_start3A_98 : memref<1x128xi32, #tpu.memory_space<vmem>> -> memref<128xi32, #tpu.memory_space<vmem>>
      %dma_start3A_100 = arith.constant 0 : i32
      %dma_start3A_101 = arith.constant 0 : i32
      %dma_start3A_102 = tpu.memref_slice %arg2[%dma_start3A_100, %dma_start3A_101] : memref<10000x128xf32, #tpu.memory_space<hbm>> -> memref<10000x128xf32, #tpu.memory_space<hbm>>
      tpu.enqueue_indirect_dma source(%dma_start3A_102 : memref<10000x128xf32, #tpu.memory_space<hbm>>) target(%arg8 : memref<128x128xf32, #tpu.memory_space<vmem>>) offsets(%dma_start3A_99 : memref<128xi32, #tpu.memory_space<vmem>>) semaphore(%arg11 : memref<!tpu.dma_semaphore, #tpu.memory_space<semaphore_mem>>)
      %dma_wait3A_103 = arith.constant 0 : i32
      %dma_wait3A_104 = arith.constant 0 : i32
      %dma_wait3A_105 = tpu.memref_slice %arg7[%dma_wait3A_103, %dma_wait3A_104] : memref<2x128xi32, #tpu.memory_space<vmem>> -> memref<1x128xi32, #tpu.memory_space<vmem>>
      %dma_wait3A_106 = tpu.memref_squeeze %dma_wait3A_105 : memref<1x128xi32, #tpu.memory_space<vmem>> -> memref<128xi32, #tpu.memory_space<vmem>>
      %dma_wait3A_107 = arith.constant 0 : i32
      %dma_wait3A_108 = arith.constant 0 : i32
      %dma_wait3A_109 = tpu.memref_slice %arg2[%dma_wait3A_107, %dma_wait3A_108] : memref<10000x128xf32, #tpu.memory_space<hbm>> -> memref<10000x128xf32, #tpu.memory_space<hbm>>
      tpu.wait_indirect_dma semaphore(%arg12 : memref<!tpu.dma_semaphore, #tpu.memory_space<semaphore_mem>>) src(%dma_wait3A_109 : memref<10000x128xf32, #tpu.memory_space<hbm>>) dst(%arg9 : memref<128x128xf32, #tpu.memory_space<vmem>>)
      %run_scoped3A_110 = arith.constant 1 : i32
      "tpu.region"() ({
        %run_scoped3A_121 = tpu.sem_alloc : memref<!tpu.dma_semaphore, #tpu.memory_space<semaphore_mem>>
        %dma_start3A_122 = arith.constant 0 : i32
        %dma_start3A_123 = tpu.memref_slice %arg7[%run_scoped3A_110, %dma_start3A_122] : memref<2x128xi32, #tpu.memory_space<vmem>> -> memref<1x128xi32, #tpu.memory_space<vmem>>
        %dma_start3A_124 = tpu.memref_squeeze %dma_start3A_123 : memref<1x128xi32, #tpu.memory_space<vmem>> -> memref<128xi32, #tpu.memory_space<vmem>>
        %dma_start3A_125 = arith.constant 0 : i32
        %dma_start3A_126 = arith.constant 0 : i32
        %dma_start3A_127 = tpu.memref_slice %arg10[%dma_start3A_125, %dma_start3A_126] : memref<10240x128xf32, #tpu.memory_space<vmem_shared>> -> memref<10240x128xf32, #tpu.memory_space<vmem_shared>>
        tpu.enqueue_indirect_dma source(%arg9 : memref<128x128xf32, #tpu.memory_space<vmem>>) target(%dma_start3A_127 : memref<10240x128xf32, #tpu.memory_space<vmem_shared>>) offsets(%dma_start3A_124 : memref<128xi32, #tpu.memory_space<vmem>>) semaphore(%run_scoped3A_121 : memref<!tpu.dma_semaphore, #tpu.memory_space<semaphore_mem>>) {add = true}
        %dma_wait3A_128 = arith.constant 0 : i32
        %dma_wait3A_129 = tpu.memref_slice %arg7[%run_scoped3A_110, %dma_wait3A_128] : memref<2x128xi32, #tpu.memory_space<vmem>> -> memref<1x128xi32, #tpu.memory_space<vmem>>
        %dma_wait3A_130 = tpu.memref_squeeze %dma_wait3A_129 : memref<1x128xi32, #tpu.memory_space<vmem>> -> memref<128xi32, #tpu.memory_space<vmem>>
        %dma_wait3A_131 = arith.constant 0 : i32
        %dma_wait3A_132 = arith.constant 0 : i32
        %dma_wait3A_133 = tpu.memref_slice %arg10[%dma_wait3A_131, %dma_wait3A_132] : memref<10240x128xf32, #tpu.memory_space<vmem_shared>> -> memref<10240x128xf32, #tpu.memory_space<vmem_shared>>
        tpu.wait_indirect_dma semaphore(%run_scoped3A_121 : memref<!tpu.dma_semaphore, #tpu.memory_space<semaphore_mem>>) src(%arg9 : memref<128x128xf32, #tpu.memory_space<vmem>>) dst(%dma_wait3A_133 : memref<10240x128xf32, #tpu.memory_space<vmem_shared>>)
        tpu.yield
      }) : () -> ()
      %add3A_111 = arith.constant 3 : i32
      %add3A_112 = arith.addi %add3A_54, %add3A_111 : i32
      %dma_start3A_113 = arith.constant 0 : i32
      %dma_start3A_114 = arith.constant 0 : i32
      %dma_start3A_115 = tpu.memref_slice %arg3[%add3A_112, %dma_start3A_113, %dma_start3A_114] : memref<2529x2x128xi32, #tpu.memory_space<hbm>> -> memref<1x2x128xi32, #tpu.memory_space<hbm>>
      %dma_start3A_116 = tpu.memref_squeeze %dma_start3A_115 : memref<1x2x128xi32, #tpu.memory_space<hbm>> -> memref<2x128xi32, #tpu.memory_space<hbm>>
      %dma_start3A_117 = arith.constant 0 : i32
      %dma_start3A_118 = arith.constant 0 : i32
      %dma_start3A_119 = tpu.memref_slice %arg3[%add3A_112, %dma_start3A_117, %dma_start3A_118] : memref<2529x2x128xi32, #tpu.memory_space<hbm>> -> memref<1x2x128xi32, #tpu.memory_space<hbm>>
      %dma_start3A_120 = tpu.memref_squeeze %dma_start3A_119 : memref<1x2x128xi32, #tpu.memory_space<hbm>> -> memref<2x128xi32, #tpu.memory_space<hbm>>
      tpu.enqueue_dma source(%dma_start3A_120 : memref<2x128xi32, #tpu.memory_space<hbm>>) target(%arg7 : memref<2x128xi32, #tpu.memory_space<vmem>>) target_semaphore(%arg14 : memref<!tpu.dma_semaphore, #tpu.memory_space<semaphore_mem>>)
    }
    %scan3A_24 = arith.constant 39 : i32
    %dma_wait3A = arith.constant 0 : i32
    %dma_wait3A_25 = arith.constant 0 : i32
    %dma_wait3A_26 = tpu.memref_slice %arg6[%dma_wait3A, %dma_wait3A_25] : memref<2x128xi32, #tpu.memory_space<vmem>> -> memref<1x128xi32, #tpu.memory_space<vmem>>
    %dma_wait3A_27 = tpu.memref_squeeze %dma_wait3A_26 : memref<1x128xi32, #tpu.memory_space<vmem>> -> memref<128xi32, #tpu.memory_space<vmem>>
    %dma_wait3A_28 = arith.constant 0 : i32
    %dma_wait3A_29 = arith.constant 0 : i32
    %dma_wait3A_30 = tpu.memref_slice %arg2[%dma_wait3A_28, %dma_wait3A_29] : memref<10000x128xf32, #tpu.memory_space<hbm>> -> memref<10000x128xf32, #tpu.memory_space<hbm>>
    tpu.wait_indirect_dma semaphore(%arg11 : memref<!tpu.dma_semaphore, #tpu.memory_space<semaphore_mem>>) src(%dma_wait3A_30 : memref<10000x128xf32, #tpu.memory_space<hbm>>) dst(%arg8 : memref<128x128xf32, #tpu.memory_space<vmem>>)
    %run_scoped3A = arith.constant 1 : i32
    "tpu.region"() ({
      %run_scoped3A_47 = tpu.sem_alloc : memref<!tpu.dma_semaphore, #tpu.memory_space<semaphore_mem>>
      %dma_start3A_48 = arith.constant 0 : i32
      %dma_start3A_49 = tpu.memref_slice %arg6[%run_scoped3A, %dma_start3A_48] : memref<2x128xi32, #tpu.memory_space<vmem>> -> memref<1x128xi32, #tpu.memory_space<vmem>>
      %dma_start3A_50 = tpu.memref_squeeze %dma_start3A_49 : memref<1x128xi32, #tpu.memory_space<vmem>> -> memref<128xi32, #tpu.memory_space<vmem>>
      %dma_start3A_51 = arith.constant 0 : i32
      %dma_start3A_52 = arith.constant 0 : i32
      %dma_start3A_53 = tpu.memref_slice %arg10[%dma_start3A_51, %dma_start3A_52] : memref<10240x128xf32, #tpu.memory_space<vmem_shared>> -> memref<10240x128xf32, #tpu.memory_space<vmem_shared>>
      tpu.enqueue_indirect_dma source(%arg8 : memref<128x128xf32, #tpu.memory_space<vmem>>) target(%dma_start3A_53 : memref<10240x128xf32, #tpu.memory_space<vmem_shared>>) offsets(%dma_start3A_50 : memref<128xi32, #tpu.memory_space<vmem>>) semaphore(%run_scoped3A_47 : memref<!tpu.dma_semaphore, #tpu.memory_space<semaphore_mem>>) {add = true}
      %dma_wait3A_54 = arith.constant 0 : i32
      %dma_wait3A_55 = tpu.memref_slice %arg6[%run_scoped3A, %dma_wait3A_54] : memref<2x128xi32, #tpu.memory_space<vmem>> -> memref<1x128xi32, #tpu.memory_space<vmem>>
      %dma_wait3A_56 = tpu.memref_squeeze %dma_wait3A_55 : memref<1x128xi32, #tpu.memory_space<vmem>> -> memref<128xi32, #tpu.memory_space<vmem>>
      %dma_wait3A_57 = arith.constant 0 : i32
      %dma_wait3A_58 = arith.constant 0 : i32
      %dma_wait3A_59 = tpu.memref_slice %arg10[%dma_wait3A_57, %dma_wait3A_58] : memref<10240x128xf32, #tpu.memory_space<vmem_shared>> -> memref<10240x128xf32, #tpu.memory_space<vmem_shared>>
      tpu.wait_indirect_dma semaphore(%run_scoped3A_47 : memref<!tpu.dma_semaphore, #tpu.memory_space<semaphore_mem>>) src(%arg8 : memref<128x128xf32, #tpu.memory_space<vmem>>) dst(%dma_wait3A_59 : memref<10240x128xf32, #tpu.memory_space<vmem_shared>>)
      tpu.yield
    }) : () -> ()
    %dma_wait3A_31 = arith.constant 0 : i32
    %dma_wait3A_32 = arith.constant 0 : i32
    %dma_wait3A_33 = tpu.memref_slice %arg3[%mul3A_2, %dma_wait3A_31, %dma_wait3A_32] : memref<2529x2x128xi32, #tpu.memory_space<hbm>> -> memref<1x2x128xi32, #tpu.memory_space<hbm>>
    %dma_wait3A_34 = tpu.memref_squeeze %dma_wait3A_33 : memref<1x2x128xi32, #tpu.memory_space<hbm>> -> memref<2x128xi32, #tpu.memory_space<hbm>>
    %dma_wait3A_35 = arith.constant 0 : i32
    %dma_wait3A_36 = arith.constant 0 : i32
    %dma_wait3A_37 = tpu.memref_slice %arg3[%mul3A_2, %dma_wait3A_35, %dma_wait3A_36] : memref<2529x2x128xi32, #tpu.memory_space<hbm>> -> memref<1x2x128xi32, #tpu.memory_space<hbm>>
    %dma_wait3A_38 = tpu.memref_squeeze %dma_wait3A_37 : memref<1x2x128xi32, #tpu.memory_space<hbm>> -> memref<2x128xi32, #tpu.memory_space<hbm>>
    tpu.wait_dma2 semaphore(%arg14 : memref<!tpu.dma_semaphore, #tpu.memory_space<semaphore_mem>>) src(%dma_wait3A_38 : memref<2x128xi32, #tpu.memory_space<hbm>>) dst(%arg7 : memref<2x128xi32, #tpu.memory_space<vmem>>)
    %barrier3A_39 = arith.constant 0 : index
    tpu.barrier barrier_id(%barrier3A_39)
    %mul3A_40 = arith.constant 640 : i32
    %mul3A_41 = arith.muli %arg1, %mul3A_40 : i32
    %mul3A_42 = arith.constant 10240 : i32
    %mul3A_43 = arith.muli %arg0, %mul3A_42 : i32
    %mul3A_44 = arith.constant 640 : i32
    %mul3A_45 = arith.muli %arg1, %mul3A_44 : i32
    %add3A_46 = arith.addi %mul3A_43, %mul3A_45 : i32
    "tpu.region"() ({
      %run_scoped3A_47 = tpu.sem_alloc : memref<!tpu.dma_semaphore, #tpu.memory_space<semaphore_mem>>
      %dma_start3A_48 = arith.constant 0 : i32
      %dma_start3A_49 = tpu.memref_slice %arg5[%add3A_46, %dma_start3A_48] : memref<20480x128xf32, #tpu.memory_space<hbm>> -> memref<640x128xf32, #tpu.memory_space<hbm>>
      %dma_start3A_50 = arith.constant 0 : i32
      %dma_start3A_51 = tpu.memref_slice %arg10[%mul3A_41, %dma_start3A_50] : memref<10240x128xf32, #tpu.memory_space<vmem_shared>> -> memref<640x128xf32, #tpu.memory_space<vmem_shared>>
      tpu.enqueue_dma source(%dma_start3A_51 : memref<640x128xf32, #tpu.memory_space<vmem_shared>>) target(%dma_start3A_49 : memref<640x128xf32, #tpu.memory_space<hbm>>) target_semaphore(%run_scoped3A_47 : memref<!tpu.dma_semaphore, #tpu.memory_space<semaphore_mem>>)
      %dma_wait3A_52 = arith.constant 0 : i32
      %dma_wait3A_53 = tpu.memref_slice %arg5[%add3A_46, %dma_wait3A_52] : memref<20480x128xf32, #tpu.memory_space<hbm>> -> memref<640x128xf32, #tpu.memory_space<hbm>>
      %dma_wait3A_54 = arith.constant 0 : i32
      %dma_wait3A_55 = tpu.memref_slice %arg10[%mul3A_41, %dma_wait3A_54] : memref<10240x128xf32, #tpu.memory_space<vmem_shared>> -> memref<640x128xf32, #tpu.memory_space<vmem_shared>>
      tpu.wait_dma2 semaphore(%run_scoped3A_47 : memref<!tpu.dma_semaphore, #tpu.memory_space<semaphore_mem>>) src(%dma_wait3A_55 : memref<640x128xf32, #tpu.memory_space<vmem_shared>>) dst(%dma_wait3A_53 : memref<640x128xf32, #tpu.memory_space<hbm>>)
      tpu.yield
    }) : () -> ()
    return
  }
}

#map = affine_map<(d0, d1) -> (0, 0)>
#map1 = affine_map<(d0, d1) -> (0, 0, 0)>
module attributes {stable_mosaic.version = 14 : i64} {
  func.func @scatter_kernel(%arg0: i32, %arg1: i32, %arg2: memref<10000x128xf32, #tpu.memory_space<hbm>>, %arg3: memref<2529x2x128xi32, #tpu.memory_space<hbm>>, %arg4: memref<640x128xf32, #tpu.memory_space<hbm>>, %arg5: memref<20480x128xf32, #tpu.memory_space<hbm>>, %arg6: memref<2x128xi32, #tpu.memory_space<vmem>>, %arg7: memref<2x128xi32, #tpu.memory_space<vmem>>, %arg8: memref<128x128xf32, #tpu.memory_space<vmem>>, %arg9: memref<128x128xf32, #tpu.memory_space<vmem>>, %arg10: memref<10240x128xf32, #tpu.memory_space<vmem_shared>>, %arg11: memref<!tpu.dma_semaphore, #tpu.memory_space<semaphore_mem>>, %arg12: memref<!tpu.dma_semaphore, #tpu.memory_space<semaphore_mem>>, %arg13: memref<!tpu.dma_semaphore, #tpu.memory_space<semaphore_mem>>, %arg14: memref<!tpu.dma_semaphore, #tpu.memory_space<semaphore_mem>>) attributes {dimension_semantics = [#tpu.dimension_semantics<core_parallel>, #tpu.dimension_semantics<subcore_parallel>], iteration_bounds = array<i64: 2, 16>, scalar_prefetch = 0 : i64, scratch_operands = 9 : i64, tpu.core_type = #tpu.core_type<sc_vector_subcore>, window_params = [{transform_indices = #map}, {transform_indices = #map1}, {transform_indices = #map}, {transform_indices = #map}]} {
    %mul3A = arith.constant 16 : i32
    %mul3A_0 = arith.muli %arg0, %mul3A : i32
    %add3A = arith.addi %mul3A_0, %arg1 : i32
    %mul3A_1 = arith.constant 79 : i32
    %mul3A_2 = arith.muli %add3A, %mul3A_1 : i32
    %mul3A_3 = arith.constant 640 : i32
    %mul3A_4 = arith.muli %arg1, %mul3A_3 : i32
    "tpu.region"() ({
      %run_scoped3A_47 = tpu.sem_alloc : memref<!tpu.dma_semaphore, #tpu.memory_space<semaphore_mem>>
      %dma_start3A_48 = arith.constant 0 : i32
      %dma_start3A_49 = tpu.memref_slice %arg10[%mul3A_4, %dma_start3A_48] : memref<10240x128xf32, #tpu.memory_space<vmem_shared>> -> memref<640x128xf32, #tpu.memory_space<vmem_shared>>
      tpu.enqueue_dma source(%arg4 : memref<640x128xf32, #tpu.memory_space<hbm>>) target(%dma_start3A_49 : memref<640x128xf32, #tpu.memory_space<vmem_shared>>) target_semaphore(%run_scoped3A_47 : memref<!tpu.dma_semaphore, #tpu.memory_space<semaphore_mem>>)
      %dma_wait3A_50 = arith.constant 0 : i32
      %dma_wait3A_51 = tpu.memref_slice %arg10[%mul3A_4, %dma_wait3A_50] : memref<10240x128xf32, #tpu.memory_space<vmem_shared>> -> memref<640x128xf32, #tpu.memory_space<vmem_shared>>
      tpu.wait_dma2 semaphore(%run_scoped3A_47 : memref<!tpu.dma_semaphore, #tpu.memory_space<semaphore_mem>>) src(%arg4 : memref<640x128xf32, #tpu.memory_space<hbm>>) dst(%dma_wait3A_51 : memref<640x128xf32, #tpu.memory_space<vmem_shared>>)
      tpu.yield
    }) : () -> ()
    %barrier3A = arith.constant 0 : index
    tpu.barrier barrier_id(%barrier3A)
    "tpu.region"() ({
      %run_scoped3A_47 = tpu.sem_alloc : memref<!tpu.dma_semaphore, #tpu.memory_space<semaphore_mem>>
      %dma_start3A_48 = arith.constant 0 : i32
      %dma_start3A_49 = arith.constant 0 : i32
      %dma_start3A_50 = tpu.memref_slice %arg3[%mul3A_2, %dma_start3A_48, %dma_start3A_49] : memref<2529x2x128xi32, #tpu.memory_space<hbm>> -> memref<1x2x128xi32, #tpu.memory_space<hbm>>
      %dma_start3A_51 = tpu.memref_squeeze %dma_start3A_50 : memref<1x2x128xi32, #tpu.memory_space<hbm>> -> memref<2x128xi32, #tpu.memory_space<hbm>>
      %dma_start3A_52 = arith.constant 0 : i32
      %dma_start3A_53 = arith.constant 0 : i32
      %dma_start3A_54 = tpu.memref_slice %arg3[%mul3A_2, %dma_start3A_52, %dma_start3A_53] : memref<2529x2x128xi32, #tpu.memory_space<hbm>> -> memref<1x2x128xi32, #tpu.memory_space<hbm>>
      %dma_start3A_55 = tpu.memref_squeeze %dma_start3A_54 : memref<1x2x128xi32, #tpu.memory_space<hbm>> -> memref<2x128xi32, #tpu.memory_space<hbm>>
      tpu.enqueue_dma source(%dma_start3A_55 : memref<2x128xi32, #tpu.memory_space<hbm>>) target(%arg6 : memref<2x128xi32, #tpu.memory_space<vmem>>) target_semaphore(%run_scoped3A_47 : memref<!tpu.dma_semaphore, #tpu.memory_space<semaphore_mem>>)
      %dma_wait3A_56 = arith.constant 0 : i32
      %dma_wait3A_57 = arith.constant 0 : i32
      %dma_wait3A_58 = tpu.memref_slice %arg3[%mul3A_2, %dma_wait3A_56, %dma_wait3A_57] : memref<2529x2x128xi32, #tpu.memory_space<hbm>> -> memref<1x2x128xi32, #tpu.memory_space<hbm>>
      %dma_wait3A_59 = tpu.memref_squeeze %dma_wait3A_58 : memref<1x2x128xi32, #tpu.memory_space<hbm>> -> memref<2x128xi32, #tpu.memory_space<hbm>>
      %dma_wait3A_60 = arith.constant 0 : i32
      %dma_wait3A_61 = arith.constant 0 : i32
      %dma_wait3A_62 = tpu.memref_slice %arg3[%mul3A_2, %dma_wait3A_60, %dma_wait3A_61] : memref<2529x2x128xi32, #tpu.memory_space<hbm>> -> memref<1x2x128xi32, #tpu.memory_space<hbm>>
      %dma_wait3A_63 = tpu.memref_squeeze %dma_wait3A_62 : memref<1x2x128xi32, #tpu.memory_space<hbm>> -> memref<2x128xi32, #tpu.memory_space<hbm>>
      tpu.wait_dma2 semaphore(%run_scoped3A_47 : memref<!tpu.dma_semaphore, #tpu.memory_space<semaphore_mem>>) src(%dma_wait3A_63 : memref<2x128xi32, #tpu.memory_space<hbm>>) dst(%arg6 : memref<2x128xi32, #tpu.memory_space<vmem>>)
      tpu.yield
    }) : () -> ()
    %dma_start3A = arith.constant 0 : i32
    %dma_start3A_5 = arith.constant 0 : i32
    %dma_start3A_6 = tpu.memref_slice %arg6[%dma_start3A, %dma_start3A_5] : memref<2x128xi32, #tpu.memory_space<vmem>> -> memref<1x128xi32, #tpu.memory_space<vmem>>
    %dma_start3A_7 = tpu.memref_squeeze %dma_start3A_6 : memref<1x128xi32, #tpu.memory_space<vmem>> -> memref<128xi32, #tpu.memory_space<vmem>>
    %dma_start3A_8 = arith.constant 0 : i32
    %dma_start3A_9 = arith.constant 0 : i32
    %dma_start3A_10 = tpu.memref_slice %arg2[%dma_start3A_8, %dma_start3A_9] : memref<10000x128xf32, #tpu.memory_space<hbm>> -> memref<10000x128xf32, #tpu.memory_space<hbm>>
    tpu.enqueue_indirect_dma source(%dma_start3A_10 : memref<10000x128xf32, #tpu.memory_space<hbm>>) target(%arg8 : memref<128x128xf32, #tpu.memory_space<vmem>>) offsets(%dma_start3A_7 : memref<128xi32, #tpu.memory_space<vmem>>) semaphore(%arg11 : memref<!tpu.dma_semaphore, #tpu.memory_space<semaphore_mem>>)
    %add3A_11 = arith.constant 1 : i32
    %add3A_12 = arith.addi %mul3A_2, %add3A_11 : i32
    %dma_start3A_13 = arith.constant 0 : i32
    %dma_start3A_14 = arith.constant 0 : i32
    %dma_start3A_15 = tpu.memref_slice %arg3[%add3A_12, %dma_start3A_13, %dma_start3A_14] : memref<2529x2x128xi32, #tpu.memory_space<hbm>> -> memref<1x2x128xi32, #tpu.memory_space<hbm>>
    %dma_start3A_16 = tpu.memref_squeeze %dma_start3A_15 : memref<1x2x128xi32, #tpu.memory_space<hbm>> -> memref<2x128xi32, #tpu.memory_space<hbm>>
    %dma_start3A_17 = arith.constant 0 : i32
    %dma_start3A_18 = arith.constant 0 : i32
    %dma_start3A_19 = tpu.memref_slice %arg3[%add3A_12, %dma_start3A_17, %dma_start3A_18] : memref<2529x2x128xi32, #tpu.memory_space<hbm>> -> memref<1x2x128xi32, #tpu.memory_space<hbm>>
    %dma_start3A_20 = tpu.memref_squeeze %dma_start3A_19 : memref<1x2x128xi32, #tpu.memory_space<hbm>> -> memref<2x128xi32, #tpu.memory_space<hbm>>
    tpu.enqueue_dma source(%dma_start3A_20 : memref<2x128xi32, #tpu.memory_space<hbm>>) target(%arg7 : memref<2x128xi32, #tpu.memory_space<vmem>>) target_semaphore(%arg14 : memref<!tpu.dma_semaphore, #tpu.memory_space<semaphore_mem>>)
    %scan3A = arith.constant 0 : i32
    %scan3A_21 = arith.constant 39 : i32
    %scan3A_22 = arith.addi %scan3A, %scan3A_21 : i32
    %scan3A_23 = arith.constant 1 : i32
    scf.for %scan3A_47 = %scan3A to %scan3A_22 step %scan3A_23  : i32 {
      %mul3A_48 = arith.constant 1 : i32
      %mul3A_49 = arith.muli %scan3A_47, %mul3A_48 : i32
      %add3A_50 = arith.constant 0 : i32
      %add3A_51 = arith.addi %add3A_50, %mul3A_49 : i32
      %mul3A_52 = arith.constant 2 : i32
      %mul3A_53 = arith.muli %mul3A_52, %add3A_51 : i32
      %add3A_54 = arith.addi %mul3A_2, %mul3A_53 : i32
      %dma_wait3A_55 = arith.constant 0 : i32
      %dma_wait3A_56 = arith.constant 0 : i32
      %dma_wait3A_57 = tpu.memref_slice %arg3[%mul3A_2, %dma_wait3A_55, %dma_wait3A_56] : memref<2529x2x128xi32, #tpu.memory_space<hbm>> -> memref<1x2x128xi32, #tpu.memory_space<hbm>>
      %dma_wait3A_58 = tpu.memref_squeeze %dma_wait3A_57 : memref<1x2x128xi32, #tpu.memory_space<hbm>> -> memref<2x128xi32, #tpu.memory_space<hbm>>
      %dma_wait3A_59 = arith.constant 0 : i32
      %dma_wait3A_60 = arith.constant 0 : i32
      %dma_wait3A_61 = tpu.memref_slice %arg3[%mul3A_2, %dma_wait3A_59, %dma_wait3A_60] : memref<2529x2x128xi32, #tpu.memory_space<hbm>> -> memref<1x2x128xi32, #tpu.memory_space<hbm>>
      %dma_wait3A_62 = tpu.memref_squeeze %dma_wait3A_61 : memref<1x2x128xi32, #tpu.memory_space<hbm>> -> memref<2x128xi32, #tpu.memory_space<hbm>>
      tpu.wait_dma2 semaphore(%arg14 : memref<!tpu.dma_semaphore, #tpu.memory_space<semaphore_mem>>) src(%dma_wait3A_62 : memref<2x128xi32, #tpu.memory_space<hbm>>) dst(%arg7 : memref<2x128xi32, #tpu.memory_space<vmem>>)
      %dma_start3A_63 = arith.constant 0 : i32
      %dma_start3A_64 = arith.constant 0 : i32
      %dma_start3A_65 = tpu.memref_slice %arg7[%dma_start3A_63, %dma_start3A_64] : memref<2x128xi32, #tpu.memory_space<vmem>> -> memref<1x128xi32, #tpu.memory_space<vmem>>
      %dma_start3A_66 = tpu.memref_squeeze %dma_start3A_65 : memref<1x128xi32, #tpu.memory_space<vmem>> -> memref<128xi32, #tpu.memory_space<vmem>>
      %dma_start3A_67 = arith.constant 0 : i32
      %dma_start3A_68 = arith.constant 0 : i32
      %dma_start3A_69 = tpu.memref_slice %arg2[%dma_start3A_67, %dma_start3A_68] : memref<10000x128xf32, #tpu.memory_space<hbm>> -> memref<10000x128xf32, #tpu.memory_space<hbm>>
      tpu.enqueue_indirect_dma source(%dma_start3A_69 : memref<10000x128xf32, #tpu.memory_space<hbm>>) target(%arg9 : memref<128x128xf32, #tpu.memory_space<vmem>>) offsets(%dma_start3A_66 : memref<128xi32, #tpu.memory_space<vmem>>) semaphore(%arg12 : memref<!tpu.dma_semaphore, #tpu.memory_space<semaphore_mem>>)
      %dma_wait3A_70 = arith.constant 0 : i32
      %dma_wait3A_71 = arith.constant 0 : i32
      %dma_wait3A_72 = tpu.memref_slice %arg6[%dma_wait3A_70, %dma_wait3A_71] : memref<2x128xi32, #tpu.memory_space<vmem>> -> memref<1x128xi32, #tpu.memory_space<vmem>>
      %dma_wait3A_73 = tpu.memref_squeeze %dma_wait3A_72 : memref<1x128xi32, #tpu.memory_space<vmem>> -> memref<128xi32, #tpu.memory_space<vmem>>
      %dma_wait3A_74 = arith.constant 0 : i32
      %dma_wait3A_75 = arith.constant 0 : i32
      %dma_wait3A_76 = tpu.memref_slice %arg2[%dma_wait3A_74, %dma_wait3A_75] : memref<10000x128xf32, #tpu.memory_space<hbm>> -> memref<10000x128xf32, #tpu.memory_space<hbm>>
      tpu.wait_indirect_dma semaphore(%arg11 : memref<!tpu.dma_semaphore, #tpu.memory_space<semaphore_mem>>) src(%dma_wait3A_76 : memref<10000x128xf32, #tpu.memory_space<hbm>>) dst(%arg8 : memref<128x128xf32, #tpu.memory_space<vmem>>)
      %run_scoped3A_77 = arith.constant 1 : i32
      "tpu.region"() ({
        %run_scoped3A_121 = tpu.sem_alloc : memref<!tpu.dma_semaphore, #tpu.memory_space<semaphore_mem>>
        %dma_start3A_122 = arith.constant 0 : i32
        %dma_start3A_123 = tpu.memref_slice %arg6[%run_scoped3A_77, %dma_start3A_122] : memref<2x128xi32, #tpu.memory_space<vmem>> -> memref<1x128xi32, #tpu.memory_space<vmem>>
        %dma_start3A_124 = tpu.memref_squeeze %dma_start3A_123 : memref<1x128xi32, #tpu.memory_space<vmem>> -> memref<128xi32, #tpu.memory_space<vmem>>
        %dma_start3A_125 = arith.constant 0 : i32
        %dma_start3A_126 = arith.constant 0 : i32
        %dma_start3A_127 = tpu.memref_slice %arg10[%dma_start3A_125, %dma_start3A_126] : memref<10240x128xf32, #tpu.memory_space<vmem_shared>> -> memref<10240x128xf32, #tpu.memory_space<vmem_shared>>
        tpu.enqueue_indirect_dma source(%arg8 : memref<128x128xf32, #tpu.memory_space<vmem>>) target(%dma_start3A_127 : memref<10240x128xf32, #tpu.memory_space<vmem_shared>>) offsets(%dma_start3A_124 : memref<128xi32, #tpu.memory_space<vmem>>) semaphore(%run_scoped3A_121 : memref<!tpu.dma_semaphore, #tpu.memory_space<semaphore_mem>>) {add = true}
        %dma_wait3A_128 = arith.constant 0 : i32
        %dma_wait3A_129 = tpu.memref_slice %arg6[%run_scoped3A_77, %dma_wait3A_128] : memref<2x128xi32, #tpu.memory_space<vmem>> -> memref<1x128xi32, #tpu.memory_space<vmem>>
        %dma_wait3A_130 = tpu.memref_squeeze %dma_wait3A_129 : memref<1x128xi32, #tpu.memory_space<vmem>> -> memref<128xi32, #tpu.memory_space<vmem>>
        %dma_wait3A_131 = arith.constant 0 : i32
        %dma_wait3A_132 = arith.constant 0 : i32
        %dma_wait3A_133 = tpu.memref_slice %arg10[%dma_wait3A_131, %dma_wait3A_132] : memref<10240x128xf32, #tpu.memory_space<vmem_shared>> -> memref<10240x128xf32, #tpu.memory_space<vmem_shared>>
        tpu.wait_indirect_dma semaphore(%run_scoped3A_121 : memref<!tpu.dma_semaphore, #tpu.memory_space<semaphore_mem>>) src(%arg8 : memref<128x128xf32, #tpu.memory_space<vmem>>) dst(%dma_wait3A_133 : memref<10240x128xf32, #tpu.memory_space<vmem_shared>>)
        tpu.yield
      }) : () -> ()
      %add3A_78 = arith.constant 2 : i32
      %add3A_79 = arith.addi %add3A_54, %add3A_78 : i32
      %dma_start3A_80 = arith.constant 0 : i32
      %dma_start3A_81 = arith.constant 0 : i32
      %dma_start3A_82 = tpu.memref_slice %arg3[%add3A_79, %dma_start3A_80, %dma_start3A_81] : memref<2529x2x128xi32, #tpu.memory_space<hbm>> -> memref<1x2x128xi32, #tpu.memory_space<hbm>>
      %dma_start3A_83 = tpu.memref_squeeze %dma_start3A_82 : memref<1x2x128xi32, #tpu.memory_space<hbm>> -> memref<2x128xi32, #tpu.memory_space<hbm>>
      %dma_start3A_84 = arith.constant 0 : i32
      %dma_start3A_85 = arith.constant 0 : i32
      %dma_start3A_86 = tpu.memref_slice %arg3[%add3A_79, %dma_start3A_84, %dma_start3A_85] : memref<2529x2x128xi32, #tpu.memory_space<hbm>> -> memref<1x2x128xi32, #tpu.memory_space<hbm>>
      %dma_start3A_87 = tpu.memref_squeeze %dma_start3A_86 : memref<1x2x128xi32, #tpu.memory_space<hbm>> -> memref<2x128xi32, #tpu.memory_space<hbm>>
      tpu.enqueue_dma source(%dma_start3A_87 : memref<2x128xi32, #tpu.memory_space<hbm>>) target(%arg6 : memref<2x128xi32, #tpu.memory_space<vmem>>) target_semaphore(%arg13 : memref<!tpu.dma_semaphore, #tpu.memory_space<semaphore_mem>>)
      %dma_wait3A_88 = arith.constant 0 : i32
      %dma_wait3A_89 = arith.constant 0 : i32
      %dma_wait3A_90 = tpu.memref_slice %arg3[%mul3A_2, %dma_wait3A_88, %dma_wait3A_89] : memref<2529x2x128xi32, #tpu.memory_space<hbm>> -> memref<1x2x128xi32, #tpu.memory_space<hbm>>
      %dma_wait3A_91 = tpu.memref_squeeze %dma_wait3A_90 : memref<1x2x128xi32, #tpu.memory_space<hbm>> -> memref<2x128xi32, #tpu.memory_space<hbm>>
      %dma_wait3A_92 = arith.constant 0 : i32
      %dma_wait3A_93 = arith.constant 0 : i32
      %dma_wait3A_94 = tpu.memref_slice %arg3[%mul3A_2, %dma_wait3A_92, %dma_wait3A_93] : memref<2529x2x128xi32, #tpu.memory_space<hbm>> -> memref<1x2x128xi32, #tpu.memory_space<hbm>>
      %dma_wait3A_95 = tpu.memref_squeeze %dma_wait3A_94 : memref<1x2x128xi32, #tpu.memory_space<hbm>> -> memref<2x128xi32, #tpu.memory_space<hbm>>
      tpu.wait_dma2 semaphore(%arg13 : memref<!tpu.dma_semaphore, #tpu.memory_space<semaphore_mem>>) src(%dma_wait3A_95 : memref<2x128xi32, #tpu.memory_space<hbm>>) dst(%arg6 : memref<2x128xi32, #tpu.memory_space<vmem>>)
      %dma_start3A_96 = arith.constant 0 : i32
      %dma_start3A_97 = arith.constant 0 : i32
      %dma_start3A_98 = tpu.memref_slice %arg6[%dma_start3A_96, %dma_start3A_97] : memref<2x128xi32, #tpu.memory_space<vmem>> -> memref<1x128xi32, #tpu.memory_space<vmem>>
      %dma_start3A_99 = tpu.memref_squeeze %dma_start3A_98 : memref<1x128xi32, #tpu.memory_space<vmem>> -> memref<128xi32, #tpu.memory_space<vmem>>
      %dma_start3A_100 = arith.constant 0 : i32
      %dma_start3A_101 = arith.constant 0 : i32
      %dma_start3A_102 = tpu.memref_slice %arg2[%dma_start3A_100, %dma_start3A_101] : memref<10000x128xf32, #tpu.memory_space<hbm>> -> memref<10000x128xf32, #tpu.memory_space<hbm>>
      tpu.enqueue_indirect_dma source(%dma_start3A_102 : memref<10000x128xf32, #tpu.memory_space<hbm>>) target(%arg8 : memref<128x128xf32, #tpu.memory_space<vmem>>) offsets(%dma_start3A_99 : memref<128xi32, #tpu.memory_space<vmem>>) semaphore(%arg11 : memref<!tpu.dma_semaphore, #tpu.memory_space<semaphore_mem>>)
      %dma_wait3A_103 = arith.constant 0 : i32
      %dma_wait3A_104 = arith.constant 0 : i32
      %dma_wait3A_105 = tpu.memref_slice %arg7[%dma_wait3A_103, %dma_wait3A_104] : memref<2x128xi32, #tpu.memory_space<vmem>> -> memref<1x128xi32, #tpu.memory_space<vmem>>
      %dma_wait3A_106 = tpu.memref_squeeze %dma_wait3A_105 : memref<1x128xi32, #tpu.memory_space<vmem>> -> memref<128xi32, #tpu.memory_space<vmem>>
      %dma_wait3A_107 = arith.constant 0 : i32
      %dma_wait3A_108 = arith.constant 0 : i32
      %dma_wait3A_109 = tpu.memref_slice %arg2[%dma_wait3A_107, %dma_wait3A_108] : memref<10000x128xf32, #tpu.memory_space<hbm>> -> memref<10000x128xf32, #tpu.memory_space<hbm>>
      tpu.wait_indirect_dma semaphore(%arg12 : memref<!tpu.dma_semaphore, #tpu.memory_space<semaphore_mem>>) src(%dma_wait3A_109 : memref<10000x128xf32, #tpu.memory_space<hbm>>) dst(%arg9 : memref<128x128xf32, #tpu.memory_space<vmem>>)
      %run_scoped3A_110 = arith.constant 1 : i32
      "tpu.region"() ({
        %run_scoped3A_121 = tpu.sem_alloc : memref<!tpu.dma_semaphore, #tpu.memory_space<semaphore_mem>>
        %dma_start3A_122 = arith.constant 0 : i32
        %dma_start3A_123 = tpu.memref_slice %arg7[%run_scoped3A_110, %dma_start3A_122] : memref<2x128xi32, #tpu.memory_space<vmem>> -> memref<1x128xi32, #tpu.memory_space<vmem>>
        %dma_start3A_124 = tpu.memref_squeeze %dma_start3A_123 : memref<1x128xi32, #tpu.memory_space<vmem>> -> memref<128xi32, #tpu.memory_space<vmem>>
        %dma_start3A_125 = arith.constant 0 : i32
        %dma_start3A_126 = arith.constant 0 : i32
        %dma_start3A_127 = tpu.memref_slice %arg10[%dma_start3A_125, %dma_start3A_126] : memref<10240x128xf32, #tpu.memory_space<vmem_shared>> -> memref<10240x128xf32, #tpu.memory_space<vmem_shared>>
        tpu.enqueue_indirect_dma source(%arg9 : memref<128x128xf32, #tpu.memory_space<vmem>>) target(%dma_start3A_127 : memref<10240x128xf32, #tpu.memory_space<vmem_shared>>) offsets(%dma_start3A_124 : memref<128xi32, #tpu.memory_space<vmem>>) semaphore(%run_scoped3A_121 : memref<!tpu.dma_semaphore, #tpu.memory_space<semaphore_mem>>) {add = true}
        %dma_wait3A_128 = arith.constant 0 : i32
        %dma_wait3A_129 = tpu.memref_slice %arg7[%run_scoped3A_110, %dma_wait3A_128] : memref<2x128xi32, #tpu.memory_space<vmem>> -> memref<1x128xi32, #tpu.memory_space<vmem>>
        %dma_wait3A_130 = tpu.memref_squeeze %dma_wait3A_129 : memref<1x128xi32, #tpu.memory_space<vmem>> -> memref<128xi32, #tpu.memory_space<vmem>>
        %dma_wait3A_131 = arith.constant 0 : i32
        %dma_wait3A_132 = arith.constant 0 : i32
        %dma_wait3A_133 = tpu.memref_slice %arg10[%dma_wait3A_131, %dma_wait3A_132] : memref<10240x128xf32, #tpu.memory_space<vmem_shared>> -> memref<10240x128xf32, #tpu.memory_space<vmem_shared>>
        tpu.wait_indirect_dma semaphore(%run_scoped3A_121 : memref<!tpu.dma_semaphore, #tpu.memory_space<semaphore_mem>>) src(%arg9 : memref<128x128xf32, #tpu.memory_space<vmem>>) dst(%dma_wait3A_133 : memref<10240x128xf32, #tpu.memory_space<vmem_shared>>)
        tpu.yield
      }) : () -> ()
      %add3A_111 = arith.constant 3 : i32
      %add3A_112 = arith.addi %add3A_54, %add3A_111 : i32
      %dma_start3A_113 = arith.constant 0 : i32
      %dma_start3A_114 = arith.constant 0 : i32
      %dma_start3A_115 = tpu.memref_slice %arg3[%add3A_112, %dma_start3A_113, %dma_start3A_114] : memref<2529x2x128xi32, #tpu.memory_space<hbm>> -> memref<1x2x128xi32, #tpu.memory_space<hbm>>
      %dma_start3A_116 = tpu.memref_squeeze %dma_start3A_115 : memref<1x2x128xi32, #tpu.memory_space<hbm>> -> memref<2x128xi32, #tpu.memory_space<hbm>>
      %dma_start3A_117 = arith.constant 0 : i32
      %dma_start3A_118 = arith.constant 0 : i32
      %dma_start3A_119 = tpu.memref_slice %arg3[%add3A_112, %dma_start3A_117, %dma_start3A_118] : memref<2529x2x128xi32, #tpu.memory_space<hbm>> -> memref<1x2x128xi32, #tpu.memory_space<hbm>>
      %dma_start3A_120 = tpu.memref_squeeze %dma_start3A_119 : memref<1x2x128xi32, #tpu.memory_space<hbm>> -> memref<2x128xi32, #tpu.memory_space<hbm>>
      tpu.enqueue_dma source(%dma_start3A_120 : memref<2x128xi32, #tpu.memory_space<hbm>>) target(%arg7 : memref<2x128xi32, #tpu.memory_space<vmem>>) target_semaphore(%arg14 : memref<!tpu.dma_semaphore, #tpu.memory_space<semaphore_mem>>)
    }
    %scan3A_24 = arith.constant 39 : i32
    %dma_wait3A = arith.constant 0 : i32
    %dma_wait3A_25 = arith.constant 0 : i32
    %dma_wait3A_26 = tpu.memref_slice %arg6[%dma_wait3A, %dma_wait3A_25] : memref<2x128xi32, #tpu.memory_space<vmem>> -> memref<1x128xi32, #tpu.memory_space<vmem>>
    %dma_wait3A_27 = tpu.memref_squeeze %dma_wait3A_26 : memref<1x128xi32, #tpu.memory_space<vmem>> -> memref<128xi32, #tpu.memory_space<vmem>>
    %dma_wait3A_28 = arith.constant 0 : i32
    %dma_wait3A_29 = arith.constant 0 : i32
    %dma_wait3A_30 = tpu.memref_slice %arg2[%dma_wait3A_28, %dma_wait3A_29] : memref<10000x128xf32, #tpu.memory_space<hbm>> -> memref<10000x128xf32, #tpu.memory_space<hbm>>
    tpu.wait_indirect_dma semaphore(%arg11 : memref<!tpu.dma_semaphore, #tpu.memory_space<semaphore_mem>>) src(%dma_wait3A_30 : memref<10000x128xf32, #tpu.memory_space<hbm>>) dst(%arg8 : memref<128x128xf32, #tpu.memory_space<vmem>>)
    %run_scoped3A = arith.constant 1 : i32
    "tpu.region"() ({
      %run_scoped3A_47 = tpu.sem_alloc : memref<!tpu.dma_semaphore, #tpu.memory_space<semaphore_mem>>
      %dma_start3A_48 = arith.constant 0 : i32
      %dma_start3A_49 = tpu.memref_slice %arg6[%run_scoped3A, %dma_start3A_48] : memref<2x128xi32, #tpu.memory_space<vmem>> -> memref<1x128xi32, #tpu.memory_space<vmem>>
      %dma_start3A_50 = tpu.memref_squeeze %dma_start3A_49 : memref<1x128xi32, #tpu.memory_space<vmem>> -> memref<128xi32, #tpu.memory_space<vmem>>
      %dma_start3A_51 = arith.constant 0 : i32
      %dma_start3A_52 = arith.constant 0 : i32
      %dma_start3A_53 = tpu.memref_slice %arg10[%dma_start3A_51, %dma_start3A_52] : memref<10240x128xf32, #tpu.memory_space<vmem_shared>> -> memref<10240x128xf32, #tpu.memory_space<vmem_shared>>
      tpu.enqueue_indirect_dma source(%arg8 : memref<128x128xf32, #tpu.memory_space<vmem>>) target(%dma_start3A_53 : memref<10240x128xf32, #tpu.memory_space<vmem_shared>>) offsets(%dma_start3A_50 : memref<128xi32, #tpu.memory_space<vmem>>) semaphore(%run_scoped3A_47 : memref<!tpu.dma_semaphore, #tpu.memory_space<semaphore_mem>>) {add = true}
      %dma_wait3A_54 = arith.constant 0 : i32
      %dma_wait3A_55 = tpu.memref_slice %arg6[%run_scoped3A, %dma_wait3A_54] : memref<2x128xi32, #tpu.memory_space<vmem>> -> memref<1x128xi32, #tpu.memory_space<vmem>>
      %dma_wait3A_56 = tpu.memref_squeeze %dma_wait3A_55 : memref<1x128xi32, #tpu.memory_space<vmem>> -> memref<128xi32, #tpu.memory_space<vmem>>
      %dma_wait3A_57 = arith.constant 0 : i32
      %dma_wait3A_58 = arith.constant 0 : i32
      %dma_wait3A_59 = tpu.memref_slice %arg10[%dma_wait3A_57, %dma_wait3A_58] : memref<10240x128xf32, #tpu.memory_space<vmem_shared>> -> memref<10240x128xf32, #tpu.memory_space<vmem_shared>>
      tpu.wait_indirect_dma semaphore(%run_scoped3A_47 : memref<!tpu.dma_semaphore, #tpu.memory_space<semaphore_mem>>) src(%arg8 : memref<128x128xf32, #tpu.memory_space<vmem>>) dst(%dma_wait3A_59 : memref<10240x128xf32, #tpu.memory_space<vmem_shared>>)
      tpu.yield
    }) : () -> ()
    %dma_wait3A_31 = arith.constant 0 : i32
    %dma_wait3A_32 = arith.constant 0 : i32
    %dma_wait3A_33 = tpu.memref_slice %arg3[%mul3A_2, %dma_wait3A_31, %dma_wait3A_32] : memref<2529x2x128xi32, #tpu.memory_space<hbm>> -> memref<1x2x128xi32, #tpu.memory_space<hbm>>
    %dma_wait3A_34 = tpu.memref_squeeze %dma_wait3A_33 : memref<1x2x128xi32, #tpu.memory_space<hbm>> -> memref<2x128xi32, #tpu.memory_space<hbm>>
    %dma_wait3A_35 = arith.constant 0 : i32
    %dma_wait3A_36 = arith.constant 0 : i32
    %dma_wait3A_37 = tpu.memref_slice %arg3[%mul3A_2, %dma_wait3A_35, %dma_wait3A_36] : memref<2529x2x128xi32, #tpu.memory_space<hbm>> -> memref<1x2x128xi32, #tpu.memory_space<hbm>>
    %dma_wait3A_38 = tpu.memref_squeeze %dma_wait3A_37 : memref<1x2x128xi32, #tpu.memory_space<hbm>> -> memref<2x128xi32, #tpu.memory_space<hbm>>
    tpu.wait_dma2 semaphore(%arg14 : memref<!tpu.dma_semaphore, #tpu.memory_space<semaphore_mem>>) src(%dma_wait3A_38 : memref<2x128xi32, #tpu.memory_space<hbm>>) dst(%arg7 : memref<2x128xi32, #tpu.memory_space<vmem>>)
    %barrier3A_39 = arith.constant 0 : index
    tpu.barrier barrier_id(%barrier3A_39)
    %mul3A_40 = arith.constant 640 : i32
    %mul3A_41 = arith.muli %arg1, %mul3A_40 : i32
    %mul3A_42 = arith.constant 10240 : i32
    %mul3A_43 = arith.muli %arg0, %mul3A_42 : i32
    %mul3A_44 = arith.constant 640 : i32
    %mul3A_45 = arith.muli %arg1, %mul3A_44 : i32
    %add3A_46 = arith.addi %mul3A_43, %mul3A_45 : i32
    "tpu.region"() ({
      %run_scoped3A_47 = tpu.sem_alloc : memref<!tpu.dma_semaphore, #tpu.memory_space<semaphore_mem>>
      %dma_start3A_48 = arith.constant 0 : i32
      %dma_start3A_49 = tpu.memref_slice %arg5[%add3A_46, %dma_start3A_48] : memref<20480x128xf32, #tpu.memory_space<hbm>> -> memref<640x128xf32, #tpu.memory_space<hbm>>
      %dma_start3A_50 = arith.constant 0 : i32
      %dma_start3A_51 = tpu.memref_slice %arg10[%mul3A_41, %dma_start3A_50] : memref<10240x128xf32, #tpu.memory_space<vmem_shared>> -> memref<640x128xf32, #tpu.memory_space<vmem_shared>>
      tpu.enqueue_dma source(%dma_start3A_51 : memref<640x128xf32, #tpu.memory_space<vmem_shared>>) target(%dma_start3A_49 : memref<640x128xf32, #tpu.memory_space<hbm>>) target_semaphore(%run_scoped3A_47 : memref<!tpu.dma_semaphore, #tpu.memory_space<semaphore_mem>>)
      %dma_wait3A_52 = arith.constant 0 : i32
      %dma_wait3A_53 = tpu.memref_slice %arg5[%add3A_46, %dma_wait3A_52] : memref<20480x128xf32, #tpu.memory_space<hbm>> -> memref<640x128xf32, #tpu.memory_space<hbm>>
      %dma_wait3A_54 = arith.constant 0 : i32
      %dma_wait3A_55 = tpu.memref_slice %arg10[%mul3A_41, %dma_wait3A_54] : memref<10240x128xf32, #tpu.memory_space<vmem_shared>> -> memref<640x128xf32, #tpu.memory_space<vmem_shared>>
      tpu.wait_dma2 semaphore(%run_scoped3A_47 : memref<!tpu.dma_semaphore, #tpu.memory_space<semaphore_mem>>) src(%dma_wait3A_55 : memref<640x128xf32, #tpu.memory_space<vmem_shared>>) dst(%dma_wait3A_53 : memref<640x128xf32, #tpu.memory_space<hbm>>)
      tpu.yield
    }) : () -> ()
    return
  }
}

#map = affine_map<(d0, d1) -> (0, 0, 0)>
#map1 = affine_map<(d0, d1) -> (0, 0)>
module attributes {stable_mosaic.version = 14 : i64} {
  func.func @deg_kernel(%arg0: i32, %arg1: i32, %arg2: memref<32x79x128xi32, #tpu.memory_space<hbm>>, %arg3: memref<128x16xf32, #tpu.memory_space<hbm>>, %arg4: memref<640x16xf32, #tpu.memory_space<hbm>>, %arg5: memref<20480x16xf32, #tpu.memory_space<hbm>>, %arg6: memref<79x128xi32, #tpu.memory_space<vmem>>, %arg7: memref<128x16xf32, #tpu.memory_space<vmem>>, %arg8: memref<10240x16xf32, #tpu.memory_space<vmem_shared>>) attributes {dimension_semantics = [#tpu.dimension_semantics<core_parallel>, #tpu.dimension_semantics<subcore_parallel>], iteration_bounds = array<i64: 2, 16>, scalar_prefetch = 0 : i64, scratch_operands = 3 : i64, tpu.core_type = #tpu.core_type<sc_vector_subcore>, window_params = [{transform_indices = #map}, {transform_indices = #map1}, {transform_indices = #map1}, {transform_indices = #map1}]} {
    %mul3A = arith.constant 16 : i32
    %mul3A_0 = arith.muli %arg0, %mul3A : i32
    %add3A = arith.addi %mul3A_0, %arg1 : i32
    "tpu.region"() ({
      %run_scoped3A = tpu.sem_alloc : memref<!tpu.dma_semaphore, #tpu.memory_space<semaphore_mem>>
      tpu.enqueue_dma source(%arg3 : memref<128x16xf32, #tpu.memory_space<hbm>>) target(%arg7 : memref<128x16xf32, #tpu.memory_space<vmem>>) target_semaphore(%run_scoped3A : memref<!tpu.dma_semaphore, #tpu.memory_space<semaphore_mem>>)
      tpu.wait_dma2 semaphore(%run_scoped3A : memref<!tpu.dma_semaphore, #tpu.memory_space<semaphore_mem>>) src(%arg3 : memref<128x16xf32, #tpu.memory_space<hbm>>) dst(%arg7 : memref<128x16xf32, #tpu.memory_space<vmem>>)
      tpu.yield
    }) : () -> ()
    %mul3A_1 = arith.constant 640 : i32
    %mul3A_2 = arith.muli %arg1, %mul3A_1 : i32
    "tpu.region"() ({
      %run_scoped3A = tpu.sem_alloc : memref<!tpu.dma_semaphore, #tpu.memory_space<semaphore_mem>>
      %dma_start3A = arith.constant 0 : i32
      %dma_start3A_15 = tpu.memref_slice %arg8[%mul3A_2, %dma_start3A] : memref<10240x16xf32, #tpu.memory_space<vmem_shared>> -> memref<640x16xf32, #tpu.memory_space<vmem_shared>>
      tpu.enqueue_dma source(%arg4 : memref<640x16xf32, #tpu.memory_space<hbm>>) target(%dma_start3A_15 : memref<640x16xf32, #tpu.memory_space<vmem_shared>>) target_semaphore(%run_scoped3A : memref<!tpu.dma_semaphore, #tpu.memory_space<semaphore_mem>>)
      %dma_wait3A = arith.constant 0 : i32
      %dma_wait3A_16 = tpu.memref_slice %arg8[%mul3A_2, %dma_wait3A] : memref<10240x16xf32, #tpu.memory_space<vmem_shared>> -> memref<640x16xf32, #tpu.memory_space<vmem_shared>>
      tpu.wait_dma2 semaphore(%run_scoped3A : memref<!tpu.dma_semaphore, #tpu.memory_space<semaphore_mem>>) src(%arg4 : memref<640x16xf32, #tpu.memory_space<hbm>>) dst(%dma_wait3A_16 : memref<640x16xf32, #tpu.memory_space<vmem_shared>>)
      tpu.yield
    }) : () -> ()
    %barrier3A = arith.constant 0 : index
    tpu.barrier barrier_id(%barrier3A)
    "tpu.region"() ({
      %run_scoped3A = tpu.sem_alloc : memref<!tpu.dma_semaphore, #tpu.memory_space<semaphore_mem>>
      %dma_start3A = arith.constant 0 : i32
      %dma_start3A_15 = arith.constant 0 : i32
      %dma_start3A_16 = tpu.memref_slice %arg2[%add3A, %dma_start3A, %dma_start3A_15] : memref<32x79x128xi32, #tpu.memory_space<hbm>> -> memref<1x79x128xi32, #tpu.memory_space<hbm>>
      %dma_start3A_17 = tpu.memref_squeeze %dma_start3A_16 : memref<1x79x128xi32, #tpu.memory_space<hbm>> -> memref<79x128xi32, #tpu.memory_space<hbm>>
      %dma_start3A_18 = arith.constant 0 : i32
      %dma_start3A_19 = arith.constant 0 : i32
      %dma_start3A_20 = tpu.memref_slice %arg2[%add3A, %dma_start3A_18, %dma_start3A_19] : memref<32x79x128xi32, #tpu.memory_space<hbm>> -> memref<1x79x128xi32, #tpu.memory_space<hbm>>
      %dma_start3A_21 = tpu.memref_squeeze %dma_start3A_20 : memref<1x79x128xi32, #tpu.memory_space<hbm>> -> memref<79x128xi32, #tpu.memory_space<hbm>>
      tpu.enqueue_dma source(%dma_start3A_21 : memref<79x128xi32, #tpu.memory_space<hbm>>) target(%arg6 : memref<79x128xi32, #tpu.memory_space<vmem>>) target_semaphore(%run_scoped3A : memref<!tpu.dma_semaphore, #tpu.memory_space<semaphore_mem>>)
      %dma_wait3A = arith.constant 0 : i32
      %dma_wait3A_22 = arith.constant 0 : i32
      %dma_wait3A_23 = tpu.memref_slice %arg2[%add3A, %dma_wait3A, %dma_wait3A_22] : memref<32x79x128xi32, #tpu.memory_space<hbm>> -> memref<1x79x128xi32, #tpu.memory_space<hbm>>
      %dma_wait3A_24 = tpu.memref_squeeze %dma_wait3A_23 : memref<1x79x128xi32, #tpu.memory_space<hbm>> -> memref<79x128xi32, #tpu.memory_space<hbm>>
      %dma_wait3A_25 = arith.constant 0 : i32
      %dma_wait3A_26 = arith.constant 0 : i32
      %dma_wait3A_27 = tpu.memref_slice %arg2[%add3A, %dma_wait3A_25, %dma_wait3A_26] : memref<32x79x128xi32, #tpu.memory_space<hbm>> -> memref<1x79x128xi32, #tpu.memory_space<hbm>>
      %dma_wait3A_28 = tpu.memref_squeeze %dma_wait3A_27 : memref<1x79x128xi32, #tpu.memory_space<hbm>> -> memref<79x128xi32, #tpu.memory_space<hbm>>
      tpu.wait_dma2 semaphore(%run_scoped3A : memref<!tpu.dma_semaphore, #tpu.memory_space<semaphore_mem>>) src(%dma_wait3A_28 : memref<79x128xi32, #tpu.memory_space<hbm>>) dst(%arg6 : memref<79x128xi32, #tpu.memory_space<vmem>>)
      tpu.yield
    }) : () -> ()
    %scan3A = arith.constant 0 : i32
    %scan3A_3 = arith.constant 79 : i32
    %scan3A_4 = arith.addi %scan3A, %scan3A_3 : i32
    %scan3A_5 = arith.constant 1 : i32
    scf.for %scan3A_15 = %scan3A to %scan3A_4 step %scan3A_5  : i32 {
      %mul3A_16 = arith.constant 1 : i32
      %mul3A_17 = arith.muli %scan3A_15, %mul3A_16 : i32
      %add3A_18 = arith.constant 0 : i32
      %add3A_19 = arith.addi %add3A_18, %mul3A_17 : i32
      "tpu.region"() ({
        %run_scoped3A = tpu.sem_alloc : memref<!tpu.dma_semaphore, #tpu.memory_space<semaphore_mem>>
        %dma_start3A = arith.constant 0 : i32
        %dma_start3A_20 = tpu.memref_slice %arg6[%add3A_19, %dma_start3A] : memref<79x128xi32, #tpu.memory_space<vmem>> -> memref<1x128xi32, #tpu.memory_space<vmem>>
        %dma_start3A_21 = tpu.memref_squeeze %dma_start3A_20 : memref<1x128xi32, #tpu.memory_space<vmem>> -> memref<128xi32, #tpu.memory_space<vmem>>
        %dma_start3A_22 = arith.constant 0 : i32
        %dma_start3A_23 = arith.constant 0 : i32
        %dma_start3A_24 = tpu.memref_slice %arg8[%dma_start3A_22, %dma_start3A_23] : memref<10240x16xf32, #tpu.memory_space<vmem_shared>> -> memref<10240x16xf32, #tpu.memory_space<vmem_shared>>
        tpu.enqueue_indirect_dma source(%arg7 : memref<128x16xf32, #tpu.memory_space<vmem>>) target(%dma_start3A_24 : memref<10240x16xf32, #tpu.memory_space<vmem_shared>>) offsets(%dma_start3A_21 : memref<128xi32, #tpu.memory_space<vmem>>) semaphore(%run_scoped3A : memref<!tpu.dma_semaphore, #tpu.memory_space<semaphore_mem>>) {add = true}
        %dma_wait3A = arith.constant 0 : i32
        %dma_wait3A_25 = tpu.memref_slice %arg6[%add3A_19, %dma_wait3A] : memref<79x128xi32, #tpu.memory_space<vmem>> -> memref<1x128xi32, #tpu.memory_space<vmem>>
        %dma_wait3A_26 = tpu.memref_squeeze %dma_wait3A_25 : memref<1x128xi32, #tpu.memory_space<vmem>> -> memref<128xi32, #tpu.memory_space<vmem>>
        %dma_wait3A_27 = arith.constant 0 : i32
        %dma_wait3A_28 = arith.constant 0 : i32
        %dma_wait3A_29 = tpu.memref_slice %arg8[%dma_wait3A_27, %dma_wait3A_28] : memref<10240x16xf32, #tpu.memory_space<vmem_shared>> -> memref<10240x16xf32, #tpu.memory_space<vmem_shared>>
        tpu.wait_indirect_dma semaphore(%run_scoped3A : memref<!tpu.dma_semaphore, #tpu.memory_space<semaphore_mem>>) src(%arg7 : memref<128x16xf32, #tpu.memory_space<vmem>>) dst(%dma_wait3A_29 : memref<10240x16xf32, #tpu.memory_space<vmem_shared>>)
        tpu.yield
      }) : () -> ()
    }
    %scan3A_6 = arith.constant 79 : i32
    %barrier3A_7 = arith.constant 0 : index
    tpu.barrier barrier_id(%barrier3A_7)
    %mul3A_8 = arith.constant 640 : i32
    %mul3A_9 = arith.muli %arg1, %mul3A_8 : i32
    %mul3A_10 = arith.constant 10240 : i32
    %mul3A_11 = arith.muli %arg0, %mul3A_10 : i32
    %mul3A_12 = arith.constant 640 : i32
    %mul3A_13 = arith.muli %arg1, %mul3A_12 : i32
    %add3A_14 = arith.addi %mul3A_11, %mul3A_13 : i32
    "tpu.region"() ({
      %run_scoped3A = tpu.sem_alloc : memref<!tpu.dma_semaphore, #tpu.memory_space<semaphore_mem>>
      %dma_start3A = arith.constant 0 : i32
      %dma_start3A_15 = tpu.memref_slice %arg5[%add3A_14, %dma_start3A] : memref<20480x16xf32, #tpu.memory_space<hbm>> -> memref<640x16xf32, #tpu.memory_space<hbm>>
      %dma_start3A_16 = arith.constant 0 : i32
      %dma_start3A_17 = tpu.memref_slice %arg8[%mul3A_9, %dma_start3A_16] : memref<10240x16xf32, #tpu.memory_space<vmem_shared>> -> memref<640x16xf32, #tpu.memory_space<vmem_shared>>
      tpu.enqueue_dma source(%dma_start3A_17 : memref<640x16xf32, #tpu.memory_space<vmem_shared>>) target(%dma_start3A_15 : memref<640x16xf32, #tpu.memory_space<hbm>>) target_semaphore(%run_scoped3A : memref<!tpu.dma_semaphore, #tpu.memory_space<semaphore_mem>>)
      %dma_wait3A = arith.constant 0 : i32
      %dma_wait3A_18 = tpu.memref_slice %arg5[%add3A_14, %dma_wait3A] : memref<20480x16xf32, #tpu.memory_space<hbm>> -> memref<640x16xf32, #tpu.memory_space<hbm>>
      %dma_wait3A_19 = arith.constant 0 : i32
      %dma_wait3A_20 = tpu.memref_slice %arg8[%mul3A_9, %dma_wait3A_19] : memref<10240x16xf32, #tpu.memory_space<vmem_shared>> -> memref<640x16xf32, #tpu.memory_space<vmem_shared>>
      tpu.wait_dma2 semaphore(%run_scoped3A : memref<!tpu.dma_semaphore, #tpu.memory_space<semaphore_mem>>) src(%dma_wait3A_20 : memref<640x16xf32, #tpu.memory_space<vmem_shared>>) dst(%dma_wait3A_18 : memref<640x16xf32, #tpu.memory_space<hbm>>)
      tpu.yield
    }) : () -> ()
    return
  }
}

#map = affine_map<(d0, d1) -> (0, 0)>
#map1 = affine_map<(d0, d1) -> (0, 0, 0)>
module attributes {stable_mosaic.version = 14 : i64} {
  func.func @scatter_kernel(%arg0: i32, %arg1: i32, %arg2: memref<10000x48xf32, #tpu.memory_space<hbm>>, %arg3: memref<2529x2x128xi32, #tpu.memory_space<hbm>>, %arg4: memref<640x48xf32, #tpu.memory_space<hbm>>, %arg5: memref<20480x48xf32, #tpu.memory_space<hbm>>, %arg6: memref<2x128xi32, #tpu.memory_space<vmem>>, %arg7: memref<2x128xi32, #tpu.memory_space<vmem>>, %arg8: memref<128x48xf32, #tpu.memory_space<vmem>>, %arg9: memref<128x48xf32, #tpu.memory_space<vmem>>, %arg10: memref<10240x48xf32, #tpu.memory_space<vmem_shared>>, %arg11: memref<!tpu.dma_semaphore, #tpu.memory_space<semaphore_mem>>, %arg12: memref<!tpu.dma_semaphore, #tpu.memory_space<semaphore_mem>>, %arg13: memref<!tpu.dma_semaphore, #tpu.memory_space<semaphore_mem>>, %arg14: memref<!tpu.dma_semaphore, #tpu.memory_space<semaphore_mem>>) attributes {dimension_semantics = [#tpu.dimension_semantics<core_parallel>, #tpu.dimension_semantics<subcore_parallel>], iteration_bounds = array<i64: 2, 16>, scalar_prefetch = 0 : i64, scratch_operands = 9 : i64, tpu.core_type = #tpu.core_type<sc_vector_subcore>, window_params = [{transform_indices = #map}, {transform_indices = #map1}, {transform_indices = #map}, {transform_indices = #map}]} {
    %mul3A = arith.constant 16 : i32
    %mul3A_0 = arith.muli %arg0, %mul3A : i32
    %add3A = arith.addi %mul3A_0, %arg1 : i32
    %mul3A_1 = arith.constant 79 : i32
    %mul3A_2 = arith.muli %add3A, %mul3A_1 : i32
    %mul3A_3 = arith.constant 640 : i32
    %mul3A_4 = arith.muli %arg1, %mul3A_3 : i32
    "tpu.region"() ({
      %run_scoped3A_47 = tpu.sem_alloc : memref<!tpu.dma_semaphore, #tpu.memory_space<semaphore_mem>>
      %dma_start3A_48 = arith.constant 0 : i32
      %dma_start3A_49 = tpu.memref_slice %arg10[%mul3A_4, %dma_start3A_48] : memref<10240x48xf32, #tpu.memory_space<vmem_shared>> -> memref<640x48xf32, #tpu.memory_space<vmem_shared>>
      tpu.enqueue_dma source(%arg4 : memref<640x48xf32, #tpu.memory_space<hbm>>) target(%dma_start3A_49 : memref<640x48xf32, #tpu.memory_space<vmem_shared>>) target_semaphore(%run_scoped3A_47 : memref<!tpu.dma_semaphore, #tpu.memory_space<semaphore_mem>>)
      %dma_wait3A_50 = arith.constant 0 : i32
      %dma_wait3A_51 = tpu.memref_slice %arg10[%mul3A_4, %dma_wait3A_50] : memref<10240x48xf32, #tpu.memory_space<vmem_shared>> -> memref<640x48xf32, #tpu.memory_space<vmem_shared>>
      tpu.wait_dma2 semaphore(%run_scoped3A_47 : memref<!tpu.dma_semaphore, #tpu.memory_space<semaphore_mem>>) src(%arg4 : memref<640x48xf32, #tpu.memory_space<hbm>>) dst(%dma_wait3A_51 : memref<640x48xf32, #tpu.memory_space<vmem_shared>>)
      tpu.yield
    }) : () -> ()
    %barrier3A = arith.constant 0 : index
    tpu.barrier barrier_id(%barrier3A)
    "tpu.region"() ({
      %run_scoped3A_47 = tpu.sem_alloc : memref<!tpu.dma_semaphore, #tpu.memory_space<semaphore_mem>>
      %dma_start3A_48 = arith.constant 0 : i32
      %dma_start3A_49 = arith.constant 0 : i32
      %dma_start3A_50 = tpu.memref_slice %arg3[%mul3A_2, %dma_start3A_48, %dma_start3A_49] : memref<2529x2x128xi32, #tpu.memory_space<hbm>> -> memref<1x2x128xi32, #tpu.memory_space<hbm>>
      %dma_start3A_51 = tpu.memref_squeeze %dma_start3A_50 : memref<1x2x128xi32, #tpu.memory_space<hbm>> -> memref<2x128xi32, #tpu.memory_space<hbm>>
      %dma_start3A_52 = arith.constant 0 : i32
      %dma_start3A_53 = arith.constant 0 : i32
      %dma_start3A_54 = tpu.memref_slice %arg3[%mul3A_2, %dma_start3A_52, %dma_start3A_53] : memref<2529x2x128xi32, #tpu.memory_space<hbm>> -> memref<1x2x128xi32, #tpu.memory_space<hbm>>
      %dma_start3A_55 = tpu.memref_squeeze %dma_start3A_54 : memref<1x2x128xi32, #tpu.memory_space<hbm>> -> memref<2x128xi32, #tpu.memory_space<hbm>>
      tpu.enqueue_dma source(%dma_start3A_55 : memref<2x128xi32, #tpu.memory_space<hbm>>) target(%arg6 : memref<2x128xi32, #tpu.memory_space<vmem>>) target_semaphore(%run_scoped3A_47 : memref<!tpu.dma_semaphore, #tpu.memory_space<semaphore_mem>>)
      %dma_wait3A_56 = arith.constant 0 : i32
      %dma_wait3A_57 = arith.constant 0 : i32
      %dma_wait3A_58 = tpu.memref_slice %arg3[%mul3A_2, %dma_wait3A_56, %dma_wait3A_57] : memref<2529x2x128xi32, #tpu.memory_space<hbm>> -> memref<1x2x128xi32, #tpu.memory_space<hbm>>
      %dma_wait3A_59 = tpu.memref_squeeze %dma_wait3A_58 : memref<1x2x128xi32, #tpu.memory_space<hbm>> -> memref<2x128xi32, #tpu.memory_space<hbm>>
      %dma_wait3A_60 = arith.constant 0 : i32
      %dma_wait3A_61 = arith.constant 0 : i32
      %dma_wait3A_62 = tpu.memref_slice %arg3[%mul3A_2, %dma_wait3A_60, %dma_wait3A_61] : memref<2529x2x128xi32, #tpu.memory_space<hbm>> -> memref<1x2x128xi32, #tpu.memory_space<hbm>>
      %dma_wait3A_63 = tpu.memref_squeeze %dma_wait3A_62 : memref<1x2x128xi32, #tpu.memory_space<hbm>> -> memref<2x128xi32, #tpu.memory_space<hbm>>
      tpu.wait_dma2 semaphore(%run_scoped3A_47 : memref<!tpu.dma_semaphore, #tpu.memory_space<semaphore_mem>>) src(%dma_wait3A_63 : memref<2x128xi32, #tpu.memory_space<hbm>>) dst(%arg6 : memref<2x128xi32, #tpu.memory_space<vmem>>)
      tpu.yield
    }) : () -> ()
    %dma_start3A = arith.constant 0 : i32
    %dma_start3A_5 = arith.constant 0 : i32
    %dma_start3A_6 = tpu.memref_slice %arg6[%dma_start3A, %dma_start3A_5] : memref<2x128xi32, #tpu.memory_space<vmem>> -> memref<1x128xi32, #tpu.memory_space<vmem>>
    %dma_start3A_7 = tpu.memref_squeeze %dma_start3A_6 : memref<1x128xi32, #tpu.memory_space<vmem>> -> memref<128xi32, #tpu.memory_space<vmem>>
    %dma_start3A_8 = arith.constant 0 : i32
    %dma_start3A_9 = arith.constant 0 : i32
    %dma_start3A_10 = tpu.memref_slice %arg2[%dma_start3A_8, %dma_start3A_9] : memref<10000x48xf32, #tpu.memory_space<hbm>> -> memref<10000x48xf32, #tpu.memory_space<hbm>>
    tpu.enqueue_indirect_dma source(%dma_start3A_10 : memref<10000x48xf32, #tpu.memory_space<hbm>>) target(%arg8 : memref<128x48xf32, #tpu.memory_space<vmem>>) offsets(%dma_start3A_7 : memref<128xi32, #tpu.memory_space<vmem>>) semaphore(%arg11 : memref<!tpu.dma_semaphore, #tpu.memory_space<semaphore_mem>>)
    %add3A_11 = arith.constant 1 : i32
    %add3A_12 = arith.addi %mul3A_2, %add3A_11 : i32
    %dma_start3A_13 = arith.constant 0 : i32
    %dma_start3A_14 = arith.constant 0 : i32
    %dma_start3A_15 = tpu.memref_slice %arg3[%add3A_12, %dma_start3A_13, %dma_start3A_14] : memref<2529x2x128xi32, #tpu.memory_space<hbm>> -> memref<1x2x128xi32, #tpu.memory_space<hbm>>
    %dma_start3A_16 = tpu.memref_squeeze %dma_start3A_15 : memref<1x2x128xi32, #tpu.memory_space<hbm>> -> memref<2x128xi32, #tpu.memory_space<hbm>>
    %dma_start3A_17 = arith.constant 0 : i32
    %dma_start3A_18 = arith.constant 0 : i32
    %dma_start3A_19 = tpu.memref_slice %arg3[%add3A_12, %dma_start3A_17, %dma_start3A_18] : memref<2529x2x128xi32, #tpu.memory_space<hbm>> -> memref<1x2x128xi32, #tpu.memory_space<hbm>>
    %dma_start3A_20 = tpu.memref_squeeze %dma_start3A_19 : memref<1x2x128xi32, #tpu.memory_space<hbm>> -> memref<2x128xi32, #tpu.memory_space<hbm>>
    tpu.enqueue_dma source(%dma_start3A_20 : memref<2x128xi32, #tpu.memory_space<hbm>>) target(%arg7 : memref<2x128xi32, #tpu.memory_space<vmem>>) target_semaphore(%arg14 : memref<!tpu.dma_semaphore, #tpu.memory_space<semaphore_mem>>)
    %scan3A = arith.constant 0 : i32
    %scan3A_21 = arith.constant 39 : i32
    %scan3A_22 = arith.addi %scan3A, %scan3A_21 : i32
    %scan3A_23 = arith.constant 1 : i32
    scf.for %scan3A_47 = %scan3A to %scan3A_22 step %scan3A_23  : i32 {
      %mul3A_48 = arith.constant 1 : i32
      %mul3A_49 = arith.muli %scan3A_47, %mul3A_48 : i32
      %add3A_50 = arith.constant 0 : i32
      %add3A_51 = arith.addi %add3A_50, %mul3A_49 : i32
      %mul3A_52 = arith.constant 2 : i32
      %mul3A_53 = arith.muli %mul3A_52, %add3A_51 : i32
      %add3A_54 = arith.addi %mul3A_2, %mul3A_53 : i32
      %dma_wait3A_55 = arith.constant 0 : i32
      %dma_wait3A_56 = arith.constant 0 : i32
      %dma_wait3A_57 = tpu.memref_slice %arg3[%mul3A_2, %dma_wait3A_55, %dma_wait3A_56] : memref<2529x2x128xi32, #tpu.memory_space<hbm>> -> memref<1x2x128xi32, #tpu.memory_space<hbm>>
      %dma_wait3A_58 = tpu.memref_squeeze %dma_wait3A_57 : memref<1x2x128xi32, #tpu.memory_space<hbm>> -> memref<2x128xi32, #tpu.memory_space<hbm>>
      %dma_wait3A_59 = arith.constant 0 : i32
      %dma_wait3A_60 = arith.constant 0 : i32
      %dma_wait3A_61 = tpu.memref_slice %arg3[%mul3A_2, %dma_wait3A_59, %dma_wait3A_60] : memref<2529x2x128xi32, #tpu.memory_space<hbm>> -> memref<1x2x128xi32, #tpu.memory_space<hbm>>
      %dma_wait3A_62 = tpu.memref_squeeze %dma_wait3A_61 : memref<1x2x128xi32, #tpu.memory_space<hbm>> -> memref<2x128xi32, #tpu.memory_space<hbm>>
      tpu.wait_dma2 semaphore(%arg14 : memref<!tpu.dma_semaphore, #tpu.memory_space<semaphore_mem>>) src(%dma_wait3A_62 : memref<2x128xi32, #tpu.memory_space<hbm>>) dst(%arg7 : memref<2x128xi32, #tpu.memory_space<vmem>>)
      %dma_start3A_63 = arith.constant 0 : i32
      %dma_start3A_64 = arith.constant 0 : i32
      %dma_start3A_65 = tpu.memref_slice %arg7[%dma_start3A_63, %dma_start3A_64] : memref<2x128xi32, #tpu.memory_space<vmem>> -> memref<1x128xi32, #tpu.memory_space<vmem>>
      %dma_start3A_66 = tpu.memref_squeeze %dma_start3A_65 : memref<1x128xi32, #tpu.memory_space<vmem>> -> memref<128xi32, #tpu.memory_space<vmem>>
      %dma_start3A_67 = arith.constant 0 : i32
      %dma_start3A_68 = arith.constant 0 : i32
      %dma_start3A_69 = tpu.memref_slice %arg2[%dma_start3A_67, %dma_start3A_68] : memref<10000x48xf32, #tpu.memory_space<hbm>> -> memref<10000x48xf32, #tpu.memory_space<hbm>>
      tpu.enqueue_indirect_dma source(%dma_start3A_69 : memref<10000x48xf32, #tpu.memory_space<hbm>>) target(%arg9 : memref<128x48xf32, #tpu.memory_space<vmem>>) offsets(%dma_start3A_66 : memref<128xi32, #tpu.memory_space<vmem>>) semaphore(%arg12 : memref<!tpu.dma_semaphore, #tpu.memory_space<semaphore_mem>>)
      %dma_wait3A_70 = arith.constant 0 : i32
      %dma_wait3A_71 = arith.constant 0 : i32
      %dma_wait3A_72 = tpu.memref_slice %arg6[%dma_wait3A_70, %dma_wait3A_71] : memref<2x128xi32, #tpu.memory_space<vmem>> -> memref<1x128xi32, #tpu.memory_space<vmem>>
      %dma_wait3A_73 = tpu.memref_squeeze %dma_wait3A_72 : memref<1x128xi32, #tpu.memory_space<vmem>> -> memref<128xi32, #tpu.memory_space<vmem>>
      %dma_wait3A_74 = arith.constant 0 : i32
      %dma_wait3A_75 = arith.constant 0 : i32
      %dma_wait3A_76 = tpu.memref_slice %arg2[%dma_wait3A_74, %dma_wait3A_75] : memref<10000x48xf32, #tpu.memory_space<hbm>> -> memref<10000x48xf32, #tpu.memory_space<hbm>>
      tpu.wait_indirect_dma semaphore(%arg11 : memref<!tpu.dma_semaphore, #tpu.memory_space<semaphore_mem>>) src(%dma_wait3A_76 : memref<10000x48xf32, #tpu.memory_space<hbm>>) dst(%arg8 : memref<128x48xf32, #tpu.memory_space<vmem>>)
      %run_scoped3A_77 = arith.constant 1 : i32
      "tpu.region"() ({
        %run_scoped3A_121 = tpu.sem_alloc : memref<!tpu.dma_semaphore, #tpu.memory_space<semaphore_mem>>
        %dma_start3A_122 = arith.constant 0 : i32
        %dma_start3A_123 = tpu.memref_slice %arg6[%run_scoped3A_77, %dma_start3A_122] : memref<2x128xi32, #tpu.memory_space<vmem>> -> memref<1x128xi32, #tpu.memory_space<vmem>>
        %dma_start3A_124 = tpu.memref_squeeze %dma_start3A_123 : memref<1x128xi32, #tpu.memory_space<vmem>> -> memref<128xi32, #tpu.memory_space<vmem>>
        %dma_start3A_125 = arith.constant 0 : i32
        %dma_start3A_126 = arith.constant 0 : i32
        %dma_start3A_127 = tpu.memref_slice %arg10[%dma_start3A_125, %dma_start3A_126] : memref<10240x48xf32, #tpu.memory_space<vmem_shared>> -> memref<10240x48xf32, #tpu.memory_space<vmem_shared>>
        tpu.enqueue_indirect_dma source(%arg8 : memref<128x48xf32, #tpu.memory_space<vmem>>) target(%dma_start3A_127 : memref<10240x48xf32, #tpu.memory_space<vmem_shared>>) offsets(%dma_start3A_124 : memref<128xi32, #tpu.memory_space<vmem>>) semaphore(%run_scoped3A_121 : memref<!tpu.dma_semaphore, #tpu.memory_space<semaphore_mem>>) {add = true}
        %dma_wait3A_128 = arith.constant 0 : i32
        %dma_wait3A_129 = tpu.memref_slice %arg6[%run_scoped3A_77, %dma_wait3A_128] : memref<2x128xi32, #tpu.memory_space<vmem>> -> memref<1x128xi32, #tpu.memory_space<vmem>>
        %dma_wait3A_130 = tpu.memref_squeeze %dma_wait3A_129 : memref<1x128xi32, #tpu.memory_space<vmem>> -> memref<128xi32, #tpu.memory_space<vmem>>
        %dma_wait3A_131 = arith.constant 0 : i32
        %dma_wait3A_132 = arith.constant 0 : i32
        %dma_wait3A_133 = tpu.memref_slice %arg10[%dma_wait3A_131, %dma_wait3A_132] : memref<10240x48xf32, #tpu.memory_space<vmem_shared>> -> memref<10240x48xf32, #tpu.memory_space<vmem_shared>>
        tpu.wait_indirect_dma semaphore(%run_scoped3A_121 : memref<!tpu.dma_semaphore, #tpu.memory_space<semaphore_mem>>) src(%arg8 : memref<128x48xf32, #tpu.memory_space<vmem>>) dst(%dma_wait3A_133 : memref<10240x48xf32, #tpu.memory_space<vmem_shared>>)
        tpu.yield
      }) : () -> ()
      %add3A_78 = arith.constant 2 : i32
      %add3A_79 = arith.addi %add3A_54, %add3A_78 : i32
      %dma_start3A_80 = arith.constant 0 : i32
      %dma_start3A_81 = arith.constant 0 : i32
      %dma_start3A_82 = tpu.memref_slice %arg3[%add3A_79, %dma_start3A_80, %dma_start3A_81] : memref<2529x2x128xi32, #tpu.memory_space<hbm>> -> memref<1x2x128xi32, #tpu.memory_space<hbm>>
      %dma_start3A_83 = tpu.memref_squeeze %dma_start3A_82 : memref<1x2x128xi32, #tpu.memory_space<hbm>> -> memref<2x128xi32, #tpu.memory_space<hbm>>
      %dma_start3A_84 = arith.constant 0 : i32
      %dma_start3A_85 = arith.constant 0 : i32
      %dma_start3A_86 = tpu.memref_slice %arg3[%add3A_79, %dma_start3A_84, %dma_start3A_85] : memref<2529x2x128xi32, #tpu.memory_space<hbm>> -> memref<1x2x128xi32, #tpu.memory_space<hbm>>
      %dma_start3A_87 = tpu.memref_squeeze %dma_start3A_86 : memref<1x2x128xi32, #tpu.memory_space<hbm>> -> memref<2x128xi32, #tpu.memory_space<hbm>>
      tpu.enqueue_dma source(%dma_start3A_87 : memref<2x128xi32, #tpu.memory_space<hbm>>) target(%arg6 : memref<2x128xi32, #tpu.memory_space<vmem>>) target_semaphore(%arg13 : memref<!tpu.dma_semaphore, #tpu.memory_space<semaphore_mem>>)
      %dma_wait3A_88 = arith.constant 0 : i32
      %dma_wait3A_89 = arith.constant 0 : i32
      %dma_wait3A_90 = tpu.memref_slice %arg3[%mul3A_2, %dma_wait3A_88, %dma_wait3A_89] : memref<2529x2x128xi32, #tpu.memory_space<hbm>> -> memref<1x2x128xi32, #tpu.memory_space<hbm>>
      %dma_wait3A_91 = tpu.memref_squeeze %dma_wait3A_90 : memref<1x2x128xi32, #tpu.memory_space<hbm>> -> memref<2x128xi32, #tpu.memory_space<hbm>>
      %dma_wait3A_92 = arith.constant 0 : i32
      %dma_wait3A_93 = arith.constant 0 : i32
      %dma_wait3A_94 = tpu.memref_slice %arg3[%mul3A_2, %dma_wait3A_92, %dma_wait3A_93] : memref<2529x2x128xi32, #tpu.memory_space<hbm>> -> memref<1x2x128xi32, #tpu.memory_space<hbm>>
      %dma_wait3A_95 = tpu.memref_squeeze %dma_wait3A_94 : memref<1x2x128xi32, #tpu.memory_space<hbm>> -> memref<2x128xi32, #tpu.memory_space<hbm>>
      tpu.wait_dma2 semaphore(%arg13 : memref<!tpu.dma_semaphore, #tpu.memory_space<semaphore_mem>>) src(%dma_wait3A_95 : memref<2x128xi32, #tpu.memory_space<hbm>>) dst(%arg6 : memref<2x128xi32, #tpu.memory_space<vmem>>)
      %dma_start3A_96 = arith.constant 0 : i32
      %dma_start3A_97 = arith.constant 0 : i32
      %dma_start3A_98 = tpu.memref_slice %arg6[%dma_start3A_96, %dma_start3A_97] : memref<2x128xi32, #tpu.memory_space<vmem>> -> memref<1x128xi32, #tpu.memory_space<vmem>>
      %dma_start3A_99 = tpu.memref_squeeze %dma_start3A_98 : memref<1x128xi32, #tpu.memory_space<vmem>> -> memref<128xi32, #tpu.memory_space<vmem>>
      %dma_start3A_100 = arith.constant 0 : i32
      %dma_start3A_101 = arith.constant 0 : i32
      %dma_start3A_102 = tpu.memref_slice %arg2[%dma_start3A_100, %dma_start3A_101] : memref<10000x48xf32, #tpu.memory_space<hbm>> -> memref<10000x48xf32, #tpu.memory_space<hbm>>
      tpu.enqueue_indirect_dma source(%dma_start3A_102 : memref<10000x48xf32, #tpu.memory_space<hbm>>) target(%arg8 : memref<128x48xf32, #tpu.memory_space<vmem>>) offsets(%dma_start3A_99 : memref<128xi32, #tpu.memory_space<vmem>>) semaphore(%arg11 : memref<!tpu.dma_semaphore, #tpu.memory_space<semaphore_mem>>)
      %dma_wait3A_103 = arith.constant 0 : i32
      %dma_wait3A_104 = arith.constant 0 : i32
      %dma_wait3A_105 = tpu.memref_slice %arg7[%dma_wait3A_103, %dma_wait3A_104] : memref<2x128xi32, #tpu.memory_space<vmem>> -> memref<1x128xi32, #tpu.memory_space<vmem>>
      %dma_wait3A_106 = tpu.memref_squeeze %dma_wait3A_105 : memref<1x128xi32, #tpu.memory_space<vmem>> -> memref<128xi32, #tpu.memory_space<vmem>>
      %dma_wait3A_107 = arith.constant 0 : i32
      %dma_wait3A_108 = arith.constant 0 : i32
      %dma_wait3A_109 = tpu.memref_slice %arg2[%dma_wait3A_107, %dma_wait3A_108] : memref<10000x48xf32, #tpu.memory_space<hbm>> -> memref<10000x48xf32, #tpu.memory_space<hbm>>
      tpu.wait_indirect_dma semaphore(%arg12 : memref<!tpu.dma_semaphore, #tpu.memory_space<semaphore_mem>>) src(%dma_wait3A_109 : memref<10000x48xf32, #tpu.memory_space<hbm>>) dst(%arg9 : memref<128x48xf32, #tpu.memory_space<vmem>>)
      %run_scoped3A_110 = arith.constant 1 : i32
      "tpu.region"() ({
        %run_scoped3A_121 = tpu.sem_alloc : memref<!tpu.dma_semaphore, #tpu.memory_space<semaphore_mem>>
        %dma_start3A_122 = arith.constant 0 : i32
        %dma_start3A_123 = tpu.memref_slice %arg7[%run_scoped3A_110, %dma_start3A_122] : memref<2x128xi32, #tpu.memory_space<vmem>> -> memref<1x128xi32, #tpu.memory_space<vmem>>
        %dma_start3A_124 = tpu.memref_squeeze %dma_start3A_123 : memref<1x128xi32, #tpu.memory_space<vmem>> -> memref<128xi32, #tpu.memory_space<vmem>>
        %dma_start3A_125 = arith.constant 0 : i32
        %dma_start3A_126 = arith.constant 0 : i32
        %dma_start3A_127 = tpu.memref_slice %arg10[%dma_start3A_125, %dma_start3A_126] : memref<10240x48xf32, #tpu.memory_space<vmem_shared>> -> memref<10240x48xf32, #tpu.memory_space<vmem_shared>>
        tpu.enqueue_indirect_dma source(%arg9 : memref<128x48xf32, #tpu.memory_space<vmem>>) target(%dma_start3A_127 : memref<10240x48xf32, #tpu.memory_space<vmem_shared>>) offsets(%dma_start3A_124 : memref<128xi32, #tpu.memory_space<vmem>>) semaphore(%run_scoped3A_121 : memref<!tpu.dma_semaphore, #tpu.memory_space<semaphore_mem>>) {add = true}
        %dma_wait3A_128 = arith.constant 0 : i32
        %dma_wait3A_129 = tpu.memref_slice %arg7[%run_scoped3A_110, %dma_wait3A_128] : memref<2x128xi32, #tpu.memory_space<vmem>> -> memref<1x128xi32, #tpu.memory_space<vmem>>
        %dma_wait3A_130 = tpu.memref_squeeze %dma_wait3A_129 : memref<1x128xi32, #tpu.memory_space<vmem>> -> memref<128xi32, #tpu.memory_space<vmem>>
        %dma_wait3A_131 = arith.constant 0 : i32
        %dma_wait3A_132 = arith.constant 0 : i32
        %dma_wait3A_133 = tpu.memref_slice %arg10[%dma_wait3A_131, %dma_wait3A_132] : memref<10240x48xf32, #tpu.memory_space<vmem_shared>> -> memref<10240x48xf32, #tpu.memory_space<vmem_shared>>
        tpu.wait_indirect_dma semaphore(%run_scoped3A_121 : memref<!tpu.dma_semaphore, #tpu.memory_space<semaphore_mem>>) src(%arg9 : memref<128x48xf32, #tpu.memory_space<vmem>>) dst(%dma_wait3A_133 : memref<10240x48xf32, #tpu.memory_space<vmem_shared>>)
        tpu.yield
      }) : () -> ()
      %add3A_111 = arith.constant 3 : i32
      %add3A_112 = arith.addi %add3A_54, %add3A_111 : i32
      %dma_start3A_113 = arith.constant 0 : i32
      %dma_start3A_114 = arith.constant 0 : i32
      %dma_start3A_115 = tpu.memref_slice %arg3[%add3A_112, %dma_start3A_113, %dma_start3A_114] : memref<2529x2x128xi32, #tpu.memory_space<hbm>> -> memref<1x2x128xi32, #tpu.memory_space<hbm>>
      %dma_start3A_116 = tpu.memref_squeeze %dma_start3A_115 : memref<1x2x128xi32, #tpu.memory_space<hbm>> -> memref<2x128xi32, #tpu.memory_space<hbm>>
      %dma_start3A_117 = arith.constant 0 : i32
      %dma_start3A_118 = arith.constant 0 : i32
      %dma_start3A_119 = tpu.memref_slice %arg3[%add3A_112, %dma_start3A_117, %dma_start3A_118] : memref<2529x2x128xi32, #tpu.memory_space<hbm>> -> memref<1x2x128xi32, #tpu.memory_space<hbm>>
      %dma_start3A_120 = tpu.memref_squeeze %dma_start3A_119 : memref<1x2x128xi32, #tpu.memory_space<hbm>> -> memref<2x128xi32, #tpu.memory_space<hbm>>
      tpu.enqueue_dma source(%dma_start3A_120 : memref<2x128xi32, #tpu.memory_space<hbm>>) target(%arg7 : memref<2x128xi32, #tpu.memory_space<vmem>>) target_semaphore(%arg14 : memref<!tpu.dma_semaphore, #tpu.memory_space<semaphore_mem>>)
    }
    %scan3A_24 = arith.constant 39 : i32
    %dma_wait3A = arith.constant 0 : i32
    %dma_wait3A_25 = arith.constant 0 : i32
    %dma_wait3A_26 = tpu.memref_slice %arg6[%dma_wait3A, %dma_wait3A_25] : memref<2x128xi32, #tpu.memory_space<vmem>> -> memref<1x128xi32, #tpu.memory_space<vmem>>
    %dma_wait3A_27 = tpu.memref_squeeze %dma_wait3A_26 : memref<1x128xi32, #tpu.memory_space<vmem>> -> memref<128xi32, #tpu.memory_space<vmem>>
    %dma_wait3A_28 = arith.constant 0 : i32
    %dma_wait3A_29 = arith.constant 0 : i32
    %dma_wait3A_30 = tpu.memref_slice %arg2[%dma_wait3A_28, %dma_wait3A_29] : memref<10000x48xf32, #tpu.memory_space<hbm>> -> memref<10000x48xf32, #tpu.memory_space<hbm>>
    tpu.wait_indirect_dma semaphore(%arg11 : memref<!tpu.dma_semaphore, #tpu.memory_space<semaphore_mem>>) src(%dma_wait3A_30 : memref<10000x48xf32, #tpu.memory_space<hbm>>) dst(%arg8 : memref<128x48xf32, #tpu.memory_space<vmem>>)
    %run_scoped3A = arith.constant 1 : i32
    "tpu.region"() ({
      %run_scoped3A_47 = tpu.sem_alloc : memref<!tpu.dma_semaphore, #tpu.memory_space<semaphore_mem>>
      %dma_start3A_48 = arith.constant 0 : i32
      %dma_start3A_49 = tpu.memref_slice %arg6[%run_scoped3A, %dma_start3A_48] : memref<2x128xi32, #tpu.memory_space<vmem>> -> memref<1x128xi32, #tpu.memory_space<vmem>>
      %dma_start3A_50 = tpu.memref_squeeze %dma_start3A_49 : memref<1x128xi32, #tpu.memory_space<vmem>> -> memref<128xi32, #tpu.memory_space<vmem>>
      %dma_start3A_51 = arith.constant 0 : i32
      %dma_start3A_52 = arith.constant 0 : i32
      %dma_start3A_53 = tpu.memref_slice %arg10[%dma_start3A_51, %dma_start3A_52] : memref<10240x48xf32, #tpu.memory_space<vmem_shared>> -> memref<10240x48xf32, #tpu.memory_space<vmem_shared>>
      tpu.enqueue_indirect_dma source(%arg8 : memref<128x48xf32, #tpu.memory_space<vmem>>) target(%dma_start3A_53 : memref<10240x48xf32, #tpu.memory_space<vmem_shared>>) offsets(%dma_start3A_50 : memref<128xi32, #tpu.memory_space<vmem>>) semaphore(%run_scoped3A_47 : memref<!tpu.dma_semaphore, #tpu.memory_space<semaphore_mem>>) {add = true}
      %dma_wait3A_54 = arith.constant 0 : i32
      %dma_wait3A_55 = tpu.memref_slice %arg6[%run_scoped3A, %dma_wait3A_54] : memref<2x128xi32, #tpu.memory_space<vmem>> -> memref<1x128xi32, #tpu.memory_space<vmem>>
      %dma_wait3A_56 = tpu.memref_squeeze %dma_wait3A_55 : memref<1x128xi32, #tpu.memory_space<vmem>> -> memref<128xi32, #tpu.memory_space<vmem>>
      %dma_wait3A_57 = arith.constant 0 : i32
      %dma_wait3A_58 = arith.constant 0 : i32
      %dma_wait3A_59 = tpu.memref_slice %arg10[%dma_wait3A_57, %dma_wait3A_58] : memref<10240x48xf32, #tpu.memory_space<vmem_shared>> -> memref<10240x48xf32, #tpu.memory_space<vmem_shared>>
      tpu.wait_indirect_dma semaphore(%run_scoped3A_47 : memref<!tpu.dma_semaphore, #tpu.memory_space<semaphore_mem>>) src(%arg8 : memref<128x48xf32, #tpu.memory_space<vmem>>) dst(%dma_wait3A_59 : memref<10240x48xf32, #tpu.memory_space<vmem_shared>>)
      tpu.yield
    }) : () -> ()
    %dma_wait3A_31 = arith.constant 0 : i32
    %dma_wait3A_32 = arith.constant 0 : i32
    %dma_wait3A_33 = tpu.memref_slice %arg3[%mul3A_2, %dma_wait3A_31, %dma_wait3A_32] : memref<2529x2x128xi32, #tpu.memory_space<hbm>> -> memref<1x2x128xi32, #tpu.memory_space<hbm>>
    %dma_wait3A_34 = tpu.memref_squeeze %dma_wait3A_33 : memref<1x2x128xi32, #tpu.memory_space<hbm>> -> memref<2x128xi32, #tpu.memory_space<hbm>>
    %dma_wait3A_35 = arith.constant 0 : i32
    %dma_wait3A_36 = arith.constant 0 : i32
    %dma_wait3A_37 = tpu.memref_slice %arg3[%mul3A_2, %dma_wait3A_35, %dma_wait3A_36] : memref<2529x2x128xi32, #tpu.memory_space<hbm>> -> memref<1x2x128xi32, #tpu.memory_space<hbm>>
    %dma_wait3A_38 = tpu.memref_squeeze %dma_wait3A_37 : memref<1x2x128xi32, #tpu.memory_space<hbm>> -> memref<2x128xi32, #tpu.memory_space<hbm>>
    tpu.wait_dma2 semaphore(%arg14 : memref<!tpu.dma_semaphore, #tpu.memory_space<semaphore_mem>>) src(%dma_wait3A_38 : memref<2x128xi32, #tpu.memory_space<hbm>>) dst(%arg7 : memref<2x128xi32, #tpu.memory_space<vmem>>)
    %barrier3A_39 = arith.constant 0 : index
    tpu.barrier barrier_id(%barrier3A_39)
    %mul3A_40 = arith.constant 640 : i32
    %mul3A_41 = arith.muli %arg1, %mul3A_40 : i32
    %mul3A_42 = arith.constant 10240 : i32
    %mul3A_43 = arith.muli %arg0, %mul3A_42 : i32
    %mul3A_44 = arith.constant 640 : i32
    %mul3A_45 = arith.muli %arg1, %mul3A_44 : i32
    %add3A_46 = arith.addi %mul3A_43, %mul3A_45 : i32
    "tpu.region"() ({
      %run_scoped3A_47 = tpu.sem_alloc : memref<!tpu.dma_semaphore, #tpu.memory_space<semaphore_mem>>
      %dma_start3A_48 = arith.constant 0 : i32
      %dma_start3A_49 = tpu.memref_slice %arg5[%add3A_46, %dma_start3A_48] : memref<20480x48xf32, #tpu.memory_space<hbm>> -> memref<640x48xf32, #tpu.memory_space<hbm>>
      %dma_start3A_50 = arith.constant 0 : i32
      %dma_start3A_51 = tpu.memref_slice %arg10[%mul3A_41, %dma_start3A_50] : memref<10240x48xf32, #tpu.memory_space<vmem_shared>> -> memref<640x48xf32, #tpu.memory_space<vmem_shared>>
      tpu.enqueue_dma source(%dma_start3A_51 : memref<640x48xf32, #tpu.memory_space<vmem_shared>>) target(%dma_start3A_49 : memref<640x48xf32, #tpu.memory_space<hbm>>) target_semaphore(%run_scoped3A_47 : memref<!tpu.dma_semaphore, #tpu.memory_space<semaphore_mem>>)
      %dma_wait3A_52 = arith.constant 0 : i32
      %dma_wait3A_53 = tpu.memref_slice %arg5[%add3A_46, %dma_wait3A_52] : memref<20480x48xf32, #tpu.memory_space<hbm>> -> memref<640x48xf32, #tpu.memory_space<hbm>>
      %dma_wait3A_54 = arith.constant 0 : i32
      %dma_wait3A_55 = tpu.memref_slice %arg10[%mul3A_41, %dma_wait3A_54] : memref<10240x48xf32, #tpu.memory_space<vmem_shared>> -> memref<640x48xf32, #tpu.memory_space<vmem_shared>>
      tpu.wait_dma2 semaphore(%run_scoped3A_47 : memref<!tpu.dma_semaphore, #tpu.memory_space<semaphore_mem>>) src(%dma_wait3A_55 : memref<640x48xf32, #tpu.memory_space<vmem_shared>>) dst(%dma_wait3A_53 : memref<640x48xf32, #tpu.memory_space<hbm>>)
      tpu.yield
    }) : () -> ()
    return
  }
}

module attributes {stable_mosaic.version = 14 : i64} {
  func.func @body(%arg0: i32, %arg1: memref<2560x128xf32, #tpu.memory_space<vmem>>, %arg2: memref<128x128xf32, #tpu.memory_space<vmem>>, %arg3: memref<2560x128xf32, #tpu.memory_space<vmem>>) attributes {dimension_semantics = [#tpu.dimension_semantics<arbitrary>], iteration_bounds = array<i64: 4>, scalar_prefetch = 0 : i64, scratch_operands = 0 : i64, tpu.core_type = #tpu.core_type<tc>, window_params = [{transform_indices = @transform_0, window_bounds = array<i64: 2560, 128>}, {pipeline_mode = #tpu.pipeline_mode<synchronous>, transform_indices = @transform_1, window_bounds = array<i64: 128, 128>}, {transform_indices = @transform_2, window_bounds = array<i64: 2560, 128>}]} {
    %get3A = arith.constant 0 : index
    %get3A_0 = arith.constant 0 : index
    %get3A_1 = vector.load %arg1[%get3A, %get3A_0] : memref<2560x128xf32, #tpu.memory_space<vmem>>, vector<2560x128xf32>
    %get3A_2 = arith.constant 0 : index
    %get3A_3 = arith.constant 0 : index
    %get3A_4 = vector.load %arg2[%get3A_2, %get3A_3] : memref<128x128xf32, #tpu.memory_space<vmem>>, vector<128x128xf32>
    %dot_general3A = arith.constant dense<0.000000e+00> : vector<2560x128xf32>
    %dot_general3A_5 = tpu.matmul %get3A_1, %get3A_4, %dot_general3A {dimension_numbers = #tpu.dot_dimension_numbers<[1], [0], [0], [1], [0, 0, 1, 1], [], []>, transpose_lhs_hint = false} : vector<2560x128xf32>, vector<128x128xf32>, vector<2560x128xf32> -> vector<2560x128xf32>
    %swap3A = arith.constant 0 : index
    %swap3A_6 = arith.constant 0 : index
    %swap3A_7 = vector.load %arg3[%swap3A, %swap3A_6] : memref<2560x128xf32, #tpu.memory_space<vmem>>, vector<2560x128xf32>
    tpu.vector_store %arg3[%swap3A, %swap3A_6], %dot_general3A_5 {strides = array<i32>} : memref<2560x128xf32, #tpu.memory_space<vmem>>, vector<2560x128xf32>,
    return
  }
  func.func @transform_0(%arg0: i32) -> (i32, i32) {
    %c0_i32 = arith.constant 0 : i32
    %c0_i32_0 = arith.constant 0 : i32
    return %arg0, %c0_i32 : i32, i32
  }
  func.func @transform_1(%arg0: i32) -> (i32, i32) {
    %c0_i32 = arith.constant 0 : i32
    %c0_i32_0 = arith.constant 0 : i32
    %c0_i32_1 = arith.constant 0 : i32
    return %c0_i32, %c0_i32_0 : i32, i32
  }
  func.func @transform_2(%arg0: i32) -> (i32, i32) {
    %c0_i32 = arith.constant 0 : i32
    %c0_i32_0 = arith.constant 0 : i32
    return %arg0, %c0_i32 : i32, i32
  }
}

module attributes {stable_mosaic.version = 14 : i64} {
  func.func @body(%arg0: i32, %arg1: memref<2560x16xf32, #tpu.memory_space<vmem>>, %arg2: memref<2560x16xf32, #tpu.memory_space<vmem>>, %arg3: memref<2560x128xf32, #tpu.memory_space<vmem>>, %arg4: memref<2560x128xf32, #tpu.memory_space<vmem>>) attributes {dimension_semantics = [#tpu.dimension_semantics<arbitrary>], iteration_bounds = array<i64: 4>, scalar_prefetch = 0 : i64, scratch_operands = 0 : i64, tpu.core_type = #tpu.core_type<tc>, window_params = [{transform_indices = @transform_0, window_bounds = array<i64: 2560, 16>}, {transform_indices = @transform_1, window_bounds = array<i64: 2560, 16>}, {transform_indices = @transform_2, window_bounds = array<i64: 2560, 128>}, {transform_indices = @transform_3, window_bounds = array<i64: 2560, 128>}]} {
    %get3A = arith.constant 0 : index
    %get3A_0 = arith.constant 0 : index
    %get3A_1 = vector.load %arg3[%get3A, %get3A_0] : memref<2560x128xf32, #tpu.memory_space<vmem>>, vector<2560x128xf32>
    %get3A_2 = arith.constant 0 : index
    %get3A_3 = arith.constant 0 : index
    %get3A_4 = vector.load %arg1[%get3A_2, %get3A_3] : memref<2560x16xf32, #tpu.memory_space<vmem>>, vector<2560x16xf32>
    %get3A_5 = arith.constant 0 : index
    %get3A_6 = arith.constant 0 : index
    %get3A_7 = vector.load %arg2[%get3A_5, %get3A_6] : memref<2560x16xf32, #tpu.memory_space<vmem>>, vector<2560x16xf32>
    %add3A = arith.addf %get3A_4, %get3A_7 : vector<2560x16xf32>
    %slice3A = vector.extract_strided_slice %add3A {offsets = [0, 0], sizes = [2560, 1], strides = [1, 1]} : vector<2560x16xf32> to vector<2560x1xf32>
    %max3A = arith.constant 1.000000e+00 : f32
    %max3A_8 = vector.broadcast %max3A : f32 to vector<2560x1xf32>
    %max3A_9 = arith.maximumf %slice3A, %max3A_8 : vector<2560x1xf32>
    %rsqrt3A = math.rsqrt %max3A_9 : vector<2560x1xf32>
    %mul3A = vector.broadcast %rsqrt3A : vector<2560x1xf32> to vector<2560x128xf32>
    %mul3A_10 = arith.mulf %get3A_1, %mul3A : vector<2560x128xf32>
    %swap3A = arith.constant 0 : index
    %swap3A_11 = arith.constant 0 : index
    %swap3A_12 = vector.load %arg4[%swap3A, %swap3A_11] : memref<2560x128xf32, #tpu.memory_space<vmem>>, vector<2560x128xf32>
    tpu.vector_store %arg4[%swap3A, %swap3A_11], %mul3A_10 {strides = array<i32>} : memref<2560x128xf32, #tpu.memory_space<vmem>>, vector<2560x128xf32>,
    return
  }
  func.func @transform_0(%arg0: i32) -> (i32, i32) {
    %c0_i32 = arith.constant 0 : i32
    %c0_i32_0 = arith.constant 0 : i32
    return %arg0, %c0_i32 : i32, i32
  }
  func.func @transform_1(%arg0: i32) -> (i32, i32) {
    %add3A = arith.constant 4 : i32
    %add3A_0 = arith.addi %arg0, %add3A : i32
    %c0_i32 = arith.constant 0 : i32
    %c0_i32_1 = arith.constant 0 : i32
    return %add3A_0, %c0_i32 : i32, i32
  }
  func.func @transform_2(%arg0: i32) -> (i32, i32) {
    %c0_i32 = arith.constant 0 : i32
    %c0_i32_0 = arith.constant 0 : i32
    return %arg0, %c0_i32 : i32, i32
  }
  func.func @transform_3(%arg0: i32) -> (i32, i32) {
    %c0_i32 = arith.constant 0 : i32
    %c0_i32_0 = arith.constant 0 : i32
    return %arg0, %c0_i32 : i32, i32
  }
}

module attributes {stable_mosaic.version = 14 : i64} {
  func.func @body(%arg0: i32, %arg1: memref<2560x16xf32, #tpu.memory_space<vmem>>, %arg2: memref<2560x16xf32, #tpu.memory_space<vmem>>, %arg3: memref<2560x128xf32, #tpu.memory_space<vmem>>, %arg4: memref<2560x128xf32, #tpu.memory_space<vmem>>, %arg5: memref<1x128xf32, #tpu.memory_space<vmem>>, %arg6: memref<128x128xf32, #tpu.memory_space<vmem>>, %arg7: memref<2560x128xf32, #tpu.memory_space<vmem>>) attributes {dimension_semantics = [#tpu.dimension_semantics<arbitrary>], iteration_bounds = array<i64: 4>, scalar_prefetch = 0 : i64, scratch_operands = 0 : i64, tpu.core_type = #tpu.core_type<tc>, window_params = [{transform_indices = @transform_0, window_bounds = array<i64: 2560, 16>}, {transform_indices = @transform_1, window_bounds = array<i64: 2560, 16>}, {transform_indices = @transform_2, window_bounds = array<i64: 2560, 128>}, {transform_indices = @transform_3, window_bounds = array<i64: 2560, 128>}, {pipeline_mode = #tpu.pipeline_mode<synchronous>, transform_indices = @transform_4, window_bounds = array<i64: 1, 128>}, {pipeline_mode = #tpu.pipeline_mode<synchronous>, transform_indices = @transform_5, window_bounds = array<i64: 128, 128>}, {transform_indices = @transform_6, window_bounds = array<i64: 2560, 128>}]} {
    %get3A = arith.constant 0 : index
    %get3A_0 = arith.constant 0 : index
    %get3A_1 = vector.load %arg1[%get3A, %get3A_0] : memref<2560x16xf32, #tpu.memory_space<vmem>>, vector<2560x16xf32>
    %get3A_2 = arith.constant 0 : index
    %get3A_3 = arith.constant 0 : index
    %get3A_4 = vector.load %arg2[%get3A_2, %get3A_3] : memref<2560x16xf32, #tpu.memory_space<vmem>>, vector<2560x16xf32>
    %add3A = arith.addf %get3A_1, %get3A_4 : vector<2560x16xf32>
    %slice3A = vector.extract_strided_slice %add3A {offsets = [0, 0], sizes = [2560, 1], strides = [1, 1]} : vector<2560x16xf32> to vector<2560x1xf32>
    %max3A = arith.constant 1.000000e+00 : f32
    %max3A_5 = vector.broadcast %max3A : f32 to vector<2560x1xf32>
    %max3A_6 = arith.maximumf %slice3A, %max3A_5 : vector<2560x1xf32>
    %rsqrt3A = math.rsqrt %max3A_6 : vector<2560x1xf32>
    %get3A_7 = arith.constant 0 : index
    %get3A_8 = arith.constant 0 : index
    %get3A_9 = vector.load %arg3[%get3A_7, %get3A_8] : memref<2560x128xf32, #tpu.memory_space<vmem>>, vector<2560x128xf32>
    %get3A_10 = arith.constant 0 : index
    %get3A_11 = arith.constant 0 : index
    %get3A_12 = vector.load %arg4[%get3A_10, %get3A_11] : memref<2560x128xf32, #tpu.memory_space<vmem>>, vector<2560x128xf32>
    %add3A_13 = arith.addf %get3A_9, %get3A_12 : vector<2560x128xf32>
    %mul3A = vector.broadcast %rsqrt3A : vector<2560x1xf32> to vector<2560x128xf32>
    %mul3A_14 = arith.mulf %mul3A, %add3A_13 : vector<2560x128xf32>
    %get3A_15 = arith.constant 0 : index
    %get3A_16 = arith.constant 0 : index
    %get3A_17 = vector.load %arg5[%get3A_15, %get3A_16] : memref<1x128xf32, #tpu.memory_space<vmem>>, vector<1x128xf32>
    %add3A_18 = vector.broadcast %get3A_17 : vector<1x128xf32> to vector<2560x128xf32>
    %add3A_19 = arith.addf %mul3A_14, %add3A_18 : vector<2560x128xf32>
    %max3A_20 = arith.constant 0.000000e+00 : f32
    %max3A_21 = vector.broadcast %max3A_20 : f32 to vector<2560x128xf32>
    %max3A_22 = arith.maximumf %add3A_19, %max3A_21 : vector<2560x128xf32>
    %mul3A_23 = vector.broadcast %rsqrt3A : vector<2560x1xf32> to vector<2560x128xf32>
    %mul3A_24 = arith.mulf %mul3A_23, %max3A_22 : vector<2560x128xf32>
    %get3A_25 = arith.constant 0 : index
    %get3A_26 = arith.constant 0 : index
    %get3A_27 = vector.load %arg6[%get3A_25, %get3A_26] : memref<128x128xf32, #tpu.memory_space<vmem>>, vector<128x128xf32>
    %dot_general3A = arith.constant dense<0.000000e+00> : vector<2560x128xf32>
    %dot_general3A_28 = tpu.matmul %mul3A_24, %get3A_27, %dot_general3A {dimension_numbers = #tpu.dot_dimension_numbers<[1], [0], [0], [1], [0, 0, 1, 1], [], []>, transpose_lhs_hint = false} : vector<2560x128xf32>, vector<128x128xf32>, vector<2560x128xf32> -> vector<2560x128xf32>
    %swap3A = arith.constant 0 : index
    %swap3A_29 = arith.constant 0 : index
    %swap3A_30 = vector.load %arg7[%swap3A, %swap3A_29] : memref<2560x128xf32, #tpu.memory_space<vmem>>, vector<2560x128xf32>
    tpu.vector_store %arg7[%swap3A, %swap3A_29], %dot_general3A_28 {strides = array<i32>} : memref<2560x128xf32, #tpu.memory_space<vmem>>, vector<2560x128xf32>,
    return
  }
  func.func @transform_0(%arg0: i32) -> (i32, i32) {
    %c0_i32 = arith.constant 0 : i32
    %c0_i32_0 = arith.constant 0 : i32
    return %arg0, %c0_i32 : i32, i32
  }
  func.func @transform_1(%arg0: i32) -> (i32, i32) {
    %add3A = arith.constant 4 : i32
    %add3A_0 = arith.addi %arg0, %add3A : i32
    %c0_i32 = arith.constant 0 : i32
    %c0_i32_1 = arith.constant 0 : i32
    return %add3A_0, %c0_i32 : i32, i32
  }
  func.func @transform_2(%arg0: i32) -> (i32, i32) {
    %c0_i32 = arith.constant 0 : i32
    %c0_i32_0 = arith.constant 0 : i32
    return %arg0, %c0_i32 : i32, i32
  }
  func.func @transform_3(%arg0: i32) -> (i32, i32) {
    %add3A = arith.constant 4 : i32
    %add3A_0 = arith.addi %arg0, %add3A : i32
    %c0_i32 = arith.constant 0 : i32
    %c0_i32_1 = arith.constant 0 : i32
    return %add3A_0, %c0_i32 : i32, i32
  }
  func.func @transform_4(%arg0: i32) -> (i32, i32) {
    %c0_i32 = arith.constant 0 : i32
    %c0_i32_0 = arith.constant 0 : i32
    %c0_i32_1 = arith.constant 0 : i32
    return %c0_i32, %c0_i32_0 : i32, i32
  }
  func.func @transform_5(%arg0: i32) -> (i32, i32) {
    %c0_i32 = arith.constant 0 : i32
    %c0_i32_0 = arith.constant 0 : i32
    %c0_i32_1 = arith.constant 0 : i32
    return %c0_i32, %c0_i32_0 : i32, i32
  }
  func.func @transform_6(%arg0: i32) -> (i32, i32) {
    %c0_i32 = arith.constant 0 : i32
    %c0_i32_0 = arith.constant 0 : i32
    return %arg0, %c0_i32 : i32, i32
  }
}

module attributes {stable_mosaic.version = 14 : i64} {
  func.func @body(%arg0: i32, %arg1: memref<2560x16xf32, #tpu.memory_space<vmem>>, %arg2: memref<2560x16xf32, #tpu.memory_space<vmem>>, %arg3: memref<2560x128xf32, #tpu.memory_space<vmem>>, %arg4: memref<2560x128xf32, #tpu.memory_space<vmem>>, %arg5: memref<1x128xf32, #tpu.memory_space<vmem>>, %arg6: memref<128x48xf32, #tpu.memory_space<vmem>>, %arg7: memref<2560x48xf32, #tpu.memory_space<vmem>>) attributes {dimension_semantics = [#tpu.dimension_semantics<arbitrary>], iteration_bounds = array<i64: 4>, scalar_prefetch = 0 : i64, scratch_operands = 0 : i64, tpu.core_type = #tpu.core_type<tc>, window_params = [{transform_indices = @transform_0, window_bounds = array<i64: 2560, 16>}, {transform_indices = @transform_1, window_bounds = array<i64: 2560, 16>}, {transform_indices = @transform_2, window_bounds = array<i64: 2560, 128>}, {transform_indices = @transform_3, window_bounds = array<i64: 2560, 128>}, {pipeline_mode = #tpu.pipeline_mode<synchronous>, transform_indices = @transform_4, window_bounds = array<i64: 1, 128>}, {pipeline_mode = #tpu.pipeline_mode<synchronous>, transform_indices = @transform_5, window_bounds = array<i64: 128, 48>}, {transform_indices = @transform_6, window_bounds = array<i64: 2560, 48>}]} {
    %get3A = arith.constant 0 : index
    %get3A_0 = arith.constant 0 : index
    %get3A_1 = vector.load %arg1[%get3A, %get3A_0] : memref<2560x16xf32, #tpu.memory_space<vmem>>, vector<2560x16xf32>
    %get3A_2 = arith.constant 0 : index
    %get3A_3 = arith.constant 0 : index
    %get3A_4 = vector.load %arg2[%get3A_2, %get3A_3] : memref<2560x16xf32, #tpu.memory_space<vmem>>, vector<2560x16xf32>
    %add3A = arith.addf %get3A_1, %get3A_4 : vector<2560x16xf32>
    %slice3A = vector.extract_strided_slice %add3A {offsets = [0, 0], sizes = [2560, 1], strides = [1, 1]} : vector<2560x16xf32> to vector<2560x1xf32>
    %max3A = arith.constant 1.000000e+00 : f32
    %max3A_5 = vector.broadcast %max3A : f32 to vector<2560x1xf32>
    %max3A_6 = arith.maximumf %slice3A, %max3A_5 : vector<2560x1xf32>
    %rsqrt3A = math.rsqrt %max3A_6 : vector<2560x1xf32>
    %get3A_7 = arith.constant 0 : index
    %get3A_8 = arith.constant 0 : index
    %get3A_9 = vector.load %arg3[%get3A_7, %get3A_8] : memref<2560x128xf32, #tpu.memory_space<vmem>>, vector<2560x128xf32>
    %get3A_10 = arith.constant 0 : index
    %get3A_11 = arith.constant 0 : index
    %get3A_12 = vector.load %arg4[%get3A_10, %get3A_11] : memref<2560x128xf32, #tpu.memory_space<vmem>>, vector<2560x128xf32>
    %add3A_13 = arith.addf %get3A_9, %get3A_12 : vector<2560x128xf32>
    %mul3A = vector.broadcast %rsqrt3A : vector<2560x1xf32> to vector<2560x128xf32>
    %mul3A_14 = arith.mulf %mul3A, %add3A_13 : vector<2560x128xf32>
    %get3A_15 = arith.constant 0 : index
    %get3A_16 = arith.constant 0 : index
    %get3A_17 = vector.load %arg5[%get3A_15, %get3A_16] : memref<1x128xf32, #tpu.memory_space<vmem>>, vector<1x128xf32>
    %add3A_18 = vector.broadcast %get3A_17 : vector<1x128xf32> to vector<2560x128xf32>
    %add3A_19 = arith.addf %mul3A_14, %add3A_18 : vector<2560x128xf32>
    %max3A_20 = arith.constant 0.000000e+00 : f32
    %max3A_21 = vector.broadcast %max3A_20 : f32 to vector<2560x128xf32>
    %max3A_22 = arith.maximumf %add3A_19, %max3A_21 : vector<2560x128xf32>
    %mul3A_23 = vector.broadcast %rsqrt3A : vector<2560x1xf32> to vector<2560x128xf32>
    %mul3A_24 = arith.mulf %mul3A_23, %max3A_22 : vector<2560x128xf32>
    %get3A_25 = arith.constant 0 : index
    %get3A_26 = arith.constant 0 : index
    %get3A_27 = vector.load %arg6[%get3A_25, %get3A_26] : memref<128x48xf32, #tpu.memory_space<vmem>>, vector<128x48xf32>
    %dot_general3A = arith.constant dense<0.000000e+00> : vector<2560x48xf32>
    %dot_general3A_28 = tpu.matmul %mul3A_24, %get3A_27, %dot_general3A {dimension_numbers = #tpu.dot_dimension_numbers<[1], [0], [0], [1], [0, 0, 1, 1], [], []>, transpose_lhs_hint = false} : vector<2560x128xf32>, vector<128x48xf32>, vector<2560x48xf32> -> vector<2560x48xf32>
    %swap3A = arith.constant 0 : index
    %swap3A_29 = arith.constant 0 : index
    %swap3A_30 = vector.load %arg7[%swap3A, %swap3A_29] : memref<2560x48xf32, #tpu.memory_space<vmem>>, vector<2560x48xf32>
    tpu.vector_store %arg7[%swap3A, %swap3A_29], %dot_general3A_28 {strides = array<i32>} : memref<2560x48xf32, #tpu.memory_space<vmem>>, vector<2560x48xf32>,
    return
  }
  func.func @transform_0(%arg0: i32) -> (i32, i32) {
    %c0_i32 = arith.constant 0 : i32
    %c0_i32_0 = arith.constant 0 : i32
    return %arg0, %c0_i32 : i32, i32
  }
  func.func @transform_1(%arg0: i32) -> (i32, i32) {
    %add3A = arith.constant 4 : i32
    %add3A_0 = arith.addi %arg0, %add3A : i32
    %c0_i32 = arith.constant 0 : i32
    %c0_i32_1 = arith.constant 0 : i32
    return %add3A_0, %c0_i32 : i32, i32
  }
  func.func @transform_2(%arg0: i32) -> (i32, i32) {
    %c0_i32 = arith.constant 0 : i32
    %c0_i32_0 = arith.constant 0 : i32
    return %arg0, %c0_i32 : i32, i32
  }
  func.func @transform_3(%arg0: i32) -> (i32, i32) {
    %add3A = arith.constant 4 : i32
    %add3A_0 = arith.addi %arg0, %add3A : i32
    %c0_i32 = arith.constant 0 : i32
    %c0_i32_1 = arith.constant 0 : i32
    return %add3A_0, %c0_i32 : i32, i32
  }
  func.func @transform_4(%arg0: i32) -> (i32, i32) {
    %c0_i32 = arith.constant 0 : i32
    %c0_i32_0 = arith.constant 0 : i32
    %c0_i32_1 = arith.constant 0 : i32
    return %c0_i32, %c0_i32_0 : i32, i32
  }
  func.func @transform_5(%arg0: i32) -> (i32, i32) {
    %c0_i32 = arith.constant 0 : i32
    %c0_i32_0 = arith.constant 0 : i32
    %c0_i32_1 = arith.constant 0 : i32
    return %c0_i32, %c0_i32_0 : i32, i32
  }
  func.func @transform_6(%arg0: i32) -> (i32, i32) {
    %c0_i32 = arith.constant 0 : i32
    %c0_i32_0 = arith.constant 0 : i32
    return %arg0, %c0_i32 : i32, i32
  }
}

module attributes {stable_mosaic.version = 14 : i64} {
  func.func @body(%arg0: i32, %arg1: memref<2560x16xf32, #tpu.memory_space<vmem>>, %arg2: memref<2560x16xf32, #tpu.memory_space<vmem>>, %arg3: memref<2560x48xf32, #tpu.memory_space<vmem>>, %arg4: memref<2560x48xf32, #tpu.memory_space<vmem>>, %arg5: memref<1x48xf32, #tpu.memory_space<vmem>>, %arg6: memref<2560x40xf32, #tpu.memory_space<vmem>>) attributes {dimension_semantics = [#tpu.dimension_semantics<arbitrary>], iteration_bounds = array<i64: 4>, scalar_prefetch = 0 : i64, scratch_operands = 0 : i64, tpu.core_type = #tpu.core_type<tc>, window_params = [{transform_indices = @transform_0, window_bounds = array<i64: 2560, 16>}, {transform_indices = @transform_1, window_bounds = array<i64: 2560, 16>}, {transform_indices = @transform_2, window_bounds = array<i64: 2560, 48>}, {transform_indices = @transform_3, window_bounds = array<i64: 2560, 48>}, {pipeline_mode = #tpu.pipeline_mode<synchronous>, transform_indices = @transform_4, window_bounds = array<i64: 1, 48>}, {transform_indices = @transform_5, window_bounds = array<i64: 2560, 40>}]} {
    %get3A = arith.constant 0 : index
    %get3A_0 = arith.constant 0 : index
    %get3A_1 = vector.load %arg1[%get3A, %get3A_0] : memref<2560x16xf32, #tpu.memory_space<vmem>>, vector<2560x16xf32>
    %get3A_2 = arith.constant 0 : index
    %get3A_3 = arith.constant 0 : index
    %get3A_4 = vector.load %arg2[%get3A_2, %get3A_3] : memref<2560x16xf32, #tpu.memory_space<vmem>>, vector<2560x16xf32>
    %add3A = arith.addf %get3A_1, %get3A_4 : vector<2560x16xf32>
    %slice3A = vector.extract_strided_slice %add3A {offsets = [0, 0], sizes = [2560, 1], strides = [1, 1]} : vector<2560x16xf32> to vector<2560x1xf32>
    %max3A = arith.constant 1.000000e+00 : f32
    %max3A_5 = vector.broadcast %max3A : f32 to vector<2560x1xf32>
    %max3A_6 = arith.maximumf %slice3A, %max3A_5 : vector<2560x1xf32>
    %rsqrt3A = math.rsqrt %max3A_6 : vector<2560x1xf32>
    %get3A_7 = arith.constant 0 : index
    %get3A_8 = arith.constant 0 : index
    %get3A_9 = vector.load %arg3[%get3A_7, %get3A_8] : memref<2560x48xf32, #tpu.memory_space<vmem>>, vector<2560x48xf32>
    %get3A_10 = arith.constant 0 : index
    %get3A_11 = arith.constant 0 : index
    %get3A_12 = vector.load %arg4[%get3A_10, %get3A_11] : memref<2560x48xf32, #tpu.memory_space<vmem>>, vector<2560x48xf32>
    %add3A_13 = arith.addf %get3A_9, %get3A_12 : vector<2560x48xf32>
    %mul3A = vector.broadcast %rsqrt3A : vector<2560x1xf32> to vector<2560x48xf32>
    %mul3A_14 = arith.mulf %mul3A, %add3A_13 : vector<2560x48xf32>
    %get3A_15 = arith.constant 0 : index
    %get3A_16 = arith.constant 0 : index
    %get3A_17 = vector.load %arg5[%get3A_15, %get3A_16] : memref<1x48xf32, #tpu.memory_space<vmem>>, vector<1x48xf32>
    %add3A_18 = vector.broadcast %get3A_17 : vector<1x48xf32> to vector<2560x48xf32>
    %add3A_19 = arith.addf %mul3A_14, %add3A_18 : vector<2560x48xf32>
    %slice3A_20 = vector.extract_strided_slice %add3A_19 {offsets = [0, 0], sizes = [2560, 40], strides = [1, 1]} : vector<2560x48xf32> to vector<2560x40xf32>
    %swap3A = arith.constant 0 : index
    %swap3A_21 = arith.constant 0 : index
    %swap3A_22 = vector.load %arg6[%swap3A, %swap3A_21] : memref<2560x40xf32, #tpu.memory_space<vmem>>, vector<2560x40xf32>
    tpu.vector_store %arg6[%swap3A, %swap3A_21], %slice3A_20 {strides = array<i32>} : memref<2560x40xf32, #tpu.memory_space<vmem>>, vector<2560x40xf32>,
    return
  }
  func.func @transform_0(%arg0: i32) -> (i32, i32) {
    %c0_i32 = arith.constant 0 : i32
    %c0_i32_0 = arith.constant 0 : i32
    return %arg0, %c0_i32 : i32, i32
  }
  func.func @transform_1(%arg0: i32) -> (i32, i32) {
    %add3A = arith.constant 4 : i32
    %add3A_0 = arith.addi %arg0, %add3A : i32
    %c0_i32 = arith.constant 0 : i32
    %c0_i32_1 = arith.constant 0 : i32
    return %add3A_0, %c0_i32 : i32, i32
  }
  func.func @transform_2(%arg0: i32) -> (i32, i32) {
    %c0_i32 = arith.constant 0 : i32
    %c0_i32_0 = arith.constant 0 : i32
    return %arg0, %c0_i32 : i32, i32
  }
  func.func @transform_3(%arg0: i32) -> (i32, i32) {
    %add3A = arith.constant 4 : i32
    %add3A_0 = arith.addi %arg0, %add3A : i32
    %c0_i32 = arith.constant 0 : i32
    %c0_i32_1 = arith.constant 0 : i32
    return %add3A_0, %c0_i32 : i32, i32
  }
  func.func @transform_4(%arg0: i32) -> (i32, i32) {
    %c0_i32 = arith.constant 0 : i32
    %c0_i32_0 = arith.constant 0 : i32
    %c0_i32_1 = arith.constant 0 : i32
    return %c0_i32, %c0_i32_0 : i32, i32
  }
  func.func @transform_5(%arg0: i32) -> (i32, i32) {
    %c0_i32 = arith.constant 0 : i32
    %c0_i32_0 = arith.constant 0 : i32
    return %arg0, %c0_i32 : i32, i32
  }
}

</mosaic_0001>

<sc_bundles>
// kernel: kernel.11.cloned.1.call-start
scs
__scs_entry_jumppad:
0x0: {  	(pc) =	sbr.rel $0x88, $3  }
0x1: {  	(tag) =	ssettag $0x0;
	lr =	simm.s32 $0x1  }
0x2: {  	[smem:$0x3F99] =	sst lr;
	_ =	strace $0xD0000000  }
0x3: {  	_ = 	snop  }
0x4: {  	_ = 	snop  }
0x5: {  	_ = 	snop  }
0x6: {  	_ = 	snop  }
0x7: {  	_ = 	snop  }
__scs_overlays_trampoline_lowered:
0x8: {  	[smem:$0x3FA8] =	sst s0  }
0x9: {  	[smem:$0x3FA9] =	sst s1  }
0xa: {  	[smem:$0x3FAA] =	sst s2  }
0xb: {  	[smem:$0x3FAB] =	sst s3  }
0xc: {  	[smem:$0x3FAC] =	sst s4  }
0xd: {  	[smem:$0x3FAD] =	sst s5  }
0xe: {  	[smem:$0x3FAE] =	sst s6  }
0xf: {  	[smem:$0x3FAF] =	sst s7  }
0x10: {  	[smem:$0x3FB0] =	sst s8  }
0x11: {  	[smem:$0x3FB1] =	sst s9;
	s0 =	simm.s32 @!p0 $0x0  }
0x12: {  	s1 =	sld [smem:$0x3F97];
	s0 =	simm.s32 @p0 $0x1  }
0x13: {  	[smem:$0x3FB2] =	sst s0;
	s0 =	simm.s32 @!p1 $0x0  }
0x14: {  	s2 =	sld [smem:$0x3F96];
	s0 =	simm.s32 @p1 $0x1  }
0x15: {  	[smem:$0x3FB3] =	sst s0;
	s0 =	simm.s32 @!p2 $0x0  }
0x16: {  	s3 =	sld [smem:$0x3FDB];
	s0 =	simm.s32 @p2 $0x1  }
0x17: {  	s4 =	simm.s32 $0x1BF5;
	[smem:$0x3FB5] =	sst s0  }
0x18: {  	s0 =	sld [smem:$0x3F98];
	_ =	swait.ge [sflag:s4], $0x0  }
0x19: {  	s7 =	sld [smem:$0x3F99]  }
0x1a: {  	s8 =	sadd.s32 $0xFFFFE003, lr  }
0x1b: {  	s9 =	sadd.s32 $0xFFFFFEF7, lr;
	s5 =	simm.s32 $0xFFFFFFFF;
	p2 =	slt.u32 s8, $0xFFFFF086  }
0x1c: {  	p1 =	slt.u32 s9, $0xF7A;
	s5 =	simm.s32 @!p2 $0x0  }
0x1d: {  	s5 =	simm.s32 @p1 $0x1;
	p0 =	seq.s32 s7, s2  }
0x1e: {  	s7 =	smul.u32 @!p0 $0xF7A, s2;
	p2 =	seq.s32 @!p0 s5, $0x0  }
0x1f: {  	s9 =	smul.u32 $0xF7A, s1;
	s8 =	simm.s32 @!p0 $0x1BF5;
	p2 =	por !p2, p0  }
0x20: {  	[sflag:s8] =	ssyncset.s32 @!p0 $0xFFFFF086;
	s6 =	sadd.s32 @!p0 s3, s7;
	s7 =	simm.s32 @!p0 $0x108  }
0x21: {  	s3 =	sadd.s32 s3, s9;
	s6 =	sadd.s32 @!p0 $0x88, s6;
	s7 =	simm.s32 @p2 $0x1082  }
0x22: {  	[simem:s7], [sflag:s8] =	dma.local @!p0 [hbm:s6], $0xF7A  }
0x23: {  	s9 =	sor.u32 $0xD0000000, s2;
	s6 =	simm.s32 $0x108;
	_ =	swait.ge @!p0 [sflag:s8], $0x0  }
0x24: {  	s3 =	sadd.s32 $0x88, s3;
	s6 =	simm.s32 @!p1 $0x1082;
	[sflag:s4] =	ssyncset.s32 $0xFFFFF086  }
0x25: {  	[simem:s6], [sflag:s4] =	dma.local [hbm:s3], $0xF7A  }
0x26: {  	[smem:$0x3F99] =	sst s1;
	(tag) =	ssettag s2;
	_ =	strace s9  }
0x27: {  	s1 =	sld [smem:$0x3FA9]  }
0x28: {  	s2 =	sld [smem:$0x3FAA]  }
0x29: {  	s4 =	sld [smem:$0x3FAC]  }
0x2a: {  	p0 =	seq.s32 s5, $0x0;
	s5 =	sld [smem:$0x3FAD]  }
0x2b: {  	s6 =	sld [smem:$0x3FAE]  }
0x2c: {  	s7 =	sld [smem:$0x3FAF]  }
0x2d: {  	s3 =	simm.s32 $0x108;
	s8 =	sld [smem:$0x3FB0]  }
0x2e: {  	s3 =	simm.s32 @!p0 $0x1082;
	s9 =	sld [smem:$0x3FB1]  }
0x2f: {  	lr =	sadd.s32 s0, s3;
	s0 =	sld [smem:$0x3FA8]  }
0x30: {  	s3 =	sld [smem:$0x3FAB]  }
0x31: {  	[smem:$0x3FB4] =	sst s10  }
0x32: {  	s10 =	sld [smem:$0x3FB2];
	_ =	sdelay $0x3  }
0x33: {  	p0 =	seq.s32 s10, $0x1;
	s10 =	sld [smem:$0x3FB4];
	_ =	sdelay $0x3  }
0x34: {  	[smem:$0x3FB4] =	sst s10  }
0x35: {  	s10 =	sld [smem:$0x3FB3];
	_ =	sdelay $0x3  }
0x36: {  	p1 =	seq.s32 s10, $0x1;
	s10 =	sld [smem:$0x3FB4];
	_ =	sdelay $0x3  }
0x37: {  	[smem:$0x3FB4] =	sst s10  }
0x38: {  	s10 =	sld [smem:$0x3FB5]  }
0x39: {  	_ = 	snop;
	(pc) =	sbr.ind lr, $3  }
0x3a: {  	_ = 	snop  }
0x3b: {  	_ = 	snop  }
0x3c: {  	p2 =	seq.s32 s10, $0x1;
	s10 =	sld [smem:$0x3FB4]  }
0x3d: {  	_ =	shalt  }
0x3e: {  	_ =	shalt  }
0x3f: {  	_ =	shalt  }
0x40: {  	_ =	shalt  }
0x41: {  	_ =	shalt  }
0x42: {  	_ =	shalt  }
0x43: {  	_ =	shalt  }
0x44: {  	_ =	shalt  }
0x45: {  	_ =	shalt  }
0x46: {  	_ =	shalt  }
0x47: {  	_ =	shalt  }
0x48: {  	_ =	shalt  }
0x49: {  	_ =	shalt  }
0x4a: {  	_ =	shalt  }
0x4b: {  	_ =	shalt  }
0x4c: {  	_ =	shalt  }
0x4d: {  	_ =	shalt  }
0x4e: {  	_ =	shalt  }
0x4f: {  	_ =	shalt  }
0x50: {  	_ =	shalt  }
0x51: {  	_ =	shalt  }
0x52: {  	_ =	shalt  }
0x53: {  	_ =	shalt  }
0x54: {  	_ =	shalt  }
0x55: {  	_ =	shalt  }
0x56: {  	_ =	shalt  }
0x57: {  	_ =	shalt  }
0x58: {  	_ =	shalt  }
0x59: {  	_ =	shalt  }
0x5a: {  	_ =	shalt  }
0x5b: {  	_ =	shalt  }
0x5c: {  	_ =	shalt  }
0x5d: {  	_ =	shalt  }
0x5e: {  	_ =	shalt  }
0x5f: {  	_ =	shalt  }
0x60: {  	_ =	shalt  }
0x61: {  	_ =	shalt  }
0x62: {  	_ =	shalt  }
0x63: {  	_ =	shalt  }
0x64: {  	_ =	shalt  }
0x65: {  	_ =	shalt  }
0x66: {  	_ =	shalt  }
0x67: {  	_ =	shalt  }
0x68: {  	_ =	shalt  }
0x69: {  	_ =	shalt  }
0x6a: {  	_ =	shalt  }
0x6b: {  	_ =	shalt  }
0x6c: {  	_ =	shalt  }
0x6d: {  	_ =	shalt  }
0x6e: {  	_ =	shalt  }
0x6f: {  	_ =	shalt  }
0x70: {  	_ =	shalt  }
0x71: {  	_ =	shalt  }
0x72: {  	_ =	shalt  }
0x73: {  	_ =	shalt  }
0x74: {  	_ =	shalt  }
0x75: {  	_ =	shalt  }
0x76: {  	_ =	shalt  }
0x77: {  	_ =	shalt  }
0x78: {  	_ =	shalt  }
0x79: {  	_ =	shalt  }
0x7a: {  	_ =	shalt  }
0x7b: {  	_ =	shalt  }
0x7c: {  	_ =	shalt  }
0x7d: {  	_ =	shalt  }
0x7e: {  	_ =	shalt  }
0x7f: {  	_ =	shalt  }
0x80: {  	_ =	shalt  }
0x81: {  	_ =	shalt  }
0x82: {  	_ =	shalt  }
0x83: {  	_ =	shalt  }
0x84: {  	_ =	shalt  }
0x85: {  	_ =	shalt  }
0x86: {  	_ =	shalt  }
0x87: {  	_ =	shalt  }
.Lfunc_end0:
.L_simem_size_0:
called_computation_lowered:
.L_overlay_start_0:
0x88: {  	s2 =	sld [smem:$0x3FD9]  }
0x89: {  	s3 =	sld [smem:$0x3FFE];
	_ =	sdelay $0x1  }
0x8a: {  	s1 =	srdreg.scid  }
0x8b: {  	s0 =	sand.u32 $0x1, s1  }
0x8c: {  	s17 =	sshll.u32 s0, $0xA;
	s2 =	sadd.s32 s3, s2  }
0x8d: {  	s2 =	sadd.s32 s2, s17  }
0x8e: {  	[smem:$0x3FC0] =	sst s2  }
0x8f: {  	_ = 	snop  }
0x90: {  	s2 =	sld [smem:$0x3FD0];
	(tm) =	ssettm $0x1  }
0x91: {  	s18 =	sld [smem:$0x3FFB];
	_ =	sdelay $0x3  }
0x92: {  	_ =	strace s18  }
0x93: {  	s3 =	sld [smem:$0x3FFC];
	_ =	sdelay $0x3  }
0x94: {  	_ =	strace s3  }
0x95: {  	s3 =	sld [smem:$0x3FFD];
	_ =	sdelay $0x3  }
0x96: {  	_ =	strace s3  }
0x97: {  	_ =	strace $0x8FFFFFFF  }
0x98: {  	s19 =	sld [smem:$0x3FDB];
	_ =	sdelay $0x1  }
0x99: {  	s4 =	simm.s32 $_scs_section_size  }
0x9a: {  	s5 =	simm.s32 $_size__tile_overlayer_lowered;
	s6 =	simm.s32 $_tile_overlayer_lowered  }
0x9b: {  	s22 =	simm.s32 $0x1BFF;
	s21 =	sshll.u32 s6, $0x1;
	s3 =	sadd.s32 s4, s19  }
0x9c: {  	s7 =	simm.s32 $0x0;
	s20 =	sshll.u32 s5, $0x1;
	s5 =	sadd.s32 s21, s3  }
0x9d: {  	[timem:s7], [sflag:s22] =	dma.local [hbm:s5], s20  }
0x9e: {  	_ =	swait.ge [sflag:s22], s20  }
0x9f: {  	s4 =	ssub.s32 $0x0, s20;
	[sflag:s22] =	ssyncset.done $0x0  }
0xa0: {  	[sflag:s22] =	ssyncadd.s32 s4;
	_ =	sdelay $0x1  }
0xa1: {  	s23 =	simm.s32 $0x1B8B  }
0xa2: {  	_ =	swait.ge [sflag:s23], $0x1  }
0xa3: {  	[sflag:s23] =	ssyncset.done $0x0  }
0xa4: {  	s25 =	simm.s32 $0x1B8E;
	s24 =	sld [smem:$0x3FFE];
	[sflag:s23] =	ssyncadd.s32 $0xFFFFFFFF  }
0xa5: {  	s26 =	simm.s32 $execute0_lowered;
	[smem:$0x3FD2] =	sst s25  }
0xa6: {  	s5 =	sshll.u32 s26, $0x1;
	_ =	strace $0x80000046;
	[dreg:$0x1] =	wrdreg $0xFFFFFFFF  }
0xa7: {  	s28 =	simm.s32 $_size_execute0_lowered;
	s3 =	sadd.s32 s3, s5;
	[dreg:$0x0] =	wrdreg $0x0  }
0xa8: {  	s5 =	sshll.u32 s28, $0x1;
	[dreg:$0x2] =	wrdreg s3  }
0xa9: {  	[dreg:$0x3] =	wrdreg s5  }
0xaa: {  	[dreg:$0x4] =	wrdreg $0xC0  }
0xab: {  	_ =	task [dreg:s7], $0x5FFFF  }
0xac: {  	[dreg:$0x1] =	wrdreg $0xFFFFFFFF  }
0xad: {  	[dreg:$0x0] =	wrdreg $0x60  }
0xae: {  	[dreg:$0x2] =	wrdreg s24  }
0xaf: {  	[dreg:$0x3] =	wrdreg s2  }
0xb0: {  	[dreg:$0x4] =	wrdreg $0x2F800  }
0xb1: {  	[dreg:$0x5] =	wrdreg $0x9  }
0xb2: {  	_ =	task.clear_ibuf [dreg:s7], $0x6FFFF;
	_ =	strace $0x90000046  }
0xb3: {  	s29 =	simm.s32 $0x9;
	_ =	strace $0x80000048  }
0xb4: {  	_ =	swait.ge [sflag:s29], $0x1  }
0xb5: {  	[sflag:s29] =	ssyncadd.s32 $0xFFFFFFFF  }
0xb6: {  	_ =	strace $0x90000048  }
0xb7: {  	_ =	sfence  }
0xb8: {  	s30 =	sld [smem:$0x0];
	_ =	sdelay $0x2  }
0xb9: {  	s31 =	sshll.u32 s1, $0xD;
	s1 =	sshrl.u32 s1, $0x2  }
0xba: {  	s3 =	sand.u32 $0x4000, s31;
	s1 =	sadd.s32 s1, s30  }
0xbb: {  	s0 =	sor.u32 s3, s0;
	s1 =	sshll.u32 s1, $0x11  }
0xbc: {  	s0 =	sor.u32 s1, s0  }
0xbd: {  	s0 =	sadd.s32 $0x8F2B, s0  }
0xbe: {  	[sflag:s0] =	ssyncadd.remote.s32 $0x1  }
0xbf: {  	_ =	sfence.sel $0xFFFF  }
0xc0: {  	[dreg:$0x0] =	wrdreg $0xFFFFFFFF;
	(pc) =	sbr.abs _section_cstart, $3  }
0xc1: {  	[dreg:$0x1] =	wrdreg $0xFFFFFFFF  }
0xc2: {  	_ =	task.clear_ibuf [dreg:s7], $0x2FFFF;
	_ =	strace $0x9FFFFFFF  }
0xc3: {  	(tm) =	ssettm $0x7FFFFFFF  }
tec
execute0_lowered:
.L_overlay_start_1:
0x0: {  	(tag) =	ssettag $0x1  }
0x1: {  	s5 =	rddreg [dreg:$0x0]  }
0x2: {  	s0 =	srdreg.scid;
	s7 =	rddreg [dreg:$0x1]  }
0x3: {  	s2 =	rddreg [dreg:$0x2];
	s1 =	stileid.u32  }
0x4: {  	s3 =	simm.s32 $0x0;
	s6 =	sand.u32 $0x1, s0;
	s0 =	rddreg [dreg:$0x3]  }
0x5: {  	s14 =	simm.s32 $0x0;
	[smem:$0x7FF] =	sst s3;
	s8 =	smul.u32 $0x500, s1  }
0x6: {  	s11 =	smul.u32 $0xA000, s1;
	s31 =	sshll.u32 s1, $0x6;
	s4 =	sshll.u32 s6, $0x4  }
0x7: {  	_ =	strace $0x80000047;
	s10 =	ssub.s32 $0x2, s6;
	s13 =	smul.u32 $0x5000, s6  }
0x8: {  	s4 =	sor.u32 s1, s4;
	s12 =	sshrl.u32 s10, $0x1;
	s29 =	sshrl.u32 s11, $0x2  }
0x9: {  	s11 =	sor.u32 $0x1C01, s31;
	s4 =	smul.u32 $0x4F0, s4;
	s10 =	ssub.s32 s10, s12  }
0xa: {  	s30 =	sadd.s32 s29, s2;
	s8 =	sadd.s32 s8, s13;
	s13 =	simm.s32 $0x80  }
0xb: {  	s7 =	sadd.s32 s7, s8;
	s8 =	smax.u32 s10, $0x1;
	s10 =	simm.s32 $0x1  }
0xc: {  	s12 =	sshrl.u32 s30, $0x3;
	s9 =	sadd.s32 s4, s5;
	s4 =	sadd.s32 $0xCE00, s5  }
0xd: {  	s5 =	sadd.s32 $0xC800, s5;
	s6 =	sadd.s32 $0x2A00, s9;
	s9 =	simm.s32 $0x2780  }
.LBB2_1:
0xe: {  	[tilespmem:s9], [sflag:$0x1] =	stream.linear.gather [hbm4b:s4+s3], $0x800, $0x38;
	[tilespmem:$0x5780] =	vst v63  }
0xf: {  	_ =	swait.ge [sflag:s10], $0x800  }
0x10: {  	[sflag:s10] =	ssyncset.done $0x0  }
0x11: {  	[sflag:s10] =	ssyncadd.s32 $0xFFFFF800  }
0x12: {  	[spmem:s12], [sflag:s11] =	dma.local [hbm:s5], $0x500  }
0x13: {  	_ =	swait.ge [sflag:s10], $0x500  }
0x14: {  	[sflag:s10] =	ssyncset.done $0x0  }
0x15: {  	[sflag:s10] =	ssyncadd.s32 $0xFFFFFB00  }
0x16: {  	[bflag:$0x0] =	sbarrier.arrive $0xFFFF  }
0x17: {  	[tilespmem:s3], [sflag:$0x1] =	stream.linear.gather [hbm4b:s6+s3], $0x2780, $0x38;
	[tilespmem:$0x5780] =	vst v63  }
0x18: {  	_ =	swait.ge [sflag:s10], $0x2780  }
0x19: {  	[sflag:s10] =	ssyncset.done $0x0  }
0x1a: {  	s15 =	simm.s32 $0x0;
	[sflag:s10] =	ssyncadd.s32 $0xFFFFD880  }
0x1b: {  	[spmem:s2] =	stream.indirect.scatter.add.f32 [tilespmem:s9], [sflag:$0x1], $0x10, s15, s13, $0xb8;
	[tilespmem:$0x5780] =	vst v63  }
0x1c: {  	_ =	swait.ge [sflag:s10], $0x800  }
0x1d: {  	s15 =	simm.s32 $0x200;
	[sflag:s10] =	ssyncset.done $0x0  }
.LBB2_2:
0x1e: {  	s16 =	sshra.s32 s15, $0x2;
	[sflag:s10] =	ssyncadd.s32 $0xFFFFF800;
	p0 =	sne.s32 s15, $0x9C00  }
0x1f: {  	[spmem:s2] =	stream.indirect.scatter.add.f32 [tilespmem:s9], [sflag:$0x1], $0x10, s16, s13, $0xb8;
	[tilespmem:$0x5780] =	vst v63  }
.Ltmp0:
0x20: {  	_ = 	snop;
	(pc) =	sbr.rel @p0 .LBB2_2-.Ltmp0, $4  }
0x21: {  	_ = 	snop  }
0x22: {  	s15 =	sadd.s32 $0x200, s15  }
0x23: {  	_ =	swait.ge [sflag:s10], $0x800  }
0x24: {  	[sflag:s10] =	ssyncset.done $0x0  }
0x25: {  	s14 =	sadd.s32 $0x1, s14  }
0x26: {  	[sflag:s10] =	ssyncadd.s32 $0xFFFFF800;
	p0 =	sne.s32 s14, s8  }
.Ltmp1:
0x27: {  	[bflag:$0x0] =	sbarrier.arrive $0xFFFF;
	(pc) =	sbr.rel @p0 .LBB2_1-.Ltmp1, $4  }
0x28: {  	[hbm:s7], [sflag:s11] =	dma.local [spmem:s12], $0x500  }
0x29: {  	_ =	swait.ge [sflag:s10], $0x500  }
0x2a: {  	[sflag:s10] =	ssyncset.done $0x0  }
0x2b: {  	[sflag:s10] =	ssyncadd.s32 $0xFFFFFB00  }
0x2c: {  	_ =	sfence.sel $0x180000  }
0x2d: {  	[bflag:$0x0] =	sbarrier.arrive $0xFFFF  }
0x2e: {  	p0 =	sne.s32 s1, $0x0;
	_ =	strace $0x90000047  }
0x2f: {  	s0 =	sadd.s32 @!p0 $0x100000, s0;
	[bflag:$0x2] =	sbarrier.arrive $0xFFFF  }
0x30: {  	[sflag:s0] =	ssyncadd.tile.s32 @!p0 $0x1;
	_ =	shalt  }
.Lfunc_end2:
_tile_overlayer_lowered:
.L_overlay_start_2:
0x31: {  	(tag) =	ssettag $0x2  }
0x32: {  	s0 =	rddreg [dreg:$0x0];
	s2 =	stileid.u32  }
0x33: {  	s1 =	rddreg [dreg:$0x1];
	p0 =	sne.s32 s2, $0x0  }
0x34: {  	s3 =	rddreg [dreg:$0x2];
	[bflag:$0x3] =	sbarrier.arrive $0xFFFF;
	s2 =	simm.s32 @!p0 $0x1C01  }
0x35: {  	[timem:s3], [sflag:s2] =	dma.local @!p0 [hbm:s0], s1  }
0x36: {  	s0 =	simm.s32 @!p0 $0x1  }
0x37: {  	_ =	swait.ge @!p0 [sflag:s0], s1  }
0x38: {  	s1 =	ssub.s32 @!p0 $0x0, s1;
	[sflag:s0] =	ssyncset.done @!p0 $0x0  }
0x39: {  	[sflag:s0] =	ssyncadd.s32 @!p0 s1  }
0x3a: {  	[bflag:$0x3] =	sbarrier.arrive $0xFFFF  }
0x3b: {  	_ =	shalt  }

// kernel: kernel.14.cloned.1.call-start
scs
__scs_entry_jumppad:
0x0: {  	(pc) =	sbr.rel $0x88, $3  }
0x1: {  	(tag) =	ssettag $0x0;
	lr =	simm.s32 $0x1  }
0x2: {  	[smem:$0x3F99] =	sst lr;
	_ =	strace $0xD0000000  }
0x3: {  	_ = 	snop  }
0x4: {  	_ = 	snop  }
0x5: {  	_ = 	snop  }
0x6: {  	_ = 	snop  }
0x7: {  	_ = 	snop  }
__scs_overlays_trampoline_lowered:
0x8: {  	[smem:$0x3FA8] =	sst s0  }
0x9: {  	[smem:$0x3FA9] =	sst s1  }
0xa: {  	[smem:$0x3FAA] =	sst s2  }
0xb: {  	[smem:$0x3FAB] =	sst s3  }
0xc: {  	[smem:$0x3FAC] =	sst s4  }
0xd: {  	[smem:$0x3FAD] =	sst s5  }
0xe: {  	[smem:$0x3FAE] =	sst s6  }
0xf: {  	[smem:$0x3FAF] =	sst s7  }
0x10: {  	[smem:$0x3FB0] =	sst s8  }
0x11: {  	[smem:$0x3FB1] =	sst s9;
	s0 =	simm.s32 @!p0 $0x0  }
0x12: {  	s1 =	sld [smem:$0x3F97];
	s0 =	simm.s32 @p0 $0x1  }
0x13: {  	[smem:$0x3FB2] =	sst s0;
	s0 =	simm.s32 @!p1 $0x0  }
0x14: {  	s2 =	sld [smem:$0x3F96];
	s0 =	simm.s32 @p1 $0x1  }
0x15: {  	[smem:$0x3FB3] =	sst s0;
	s0 =	simm.s32 @!p2 $0x0  }
0x16: {  	s3 =	sld [smem:$0x3FDB];
	s0 =	simm.s32 @p2 $0x1  }
0x17: {  	s4 =	simm.s32 $0x1BF5;
	[smem:$0x3FB5] =	sst s0  }
0x18: {  	s0 =	sld [smem:$0x3F98];
	_ =	swait.ge [sflag:s4], $0x0  }
0x19: {  	s7 =	sld [smem:$0x3F99]  }
0x1a: {  	s8 =	sadd.s32 $0xFFFFE003, lr  }
0x1b: {  	s9 =	sadd.s32 $0xFFFFFEF7, lr;
	s5 =	simm.s32 $0xFFFFFFFF;
	p2 =	slt.u32 s8, $0xFFFFF086  }
0x1c: {  	p1 =	slt.u32 s9, $0xF7A;
	s5 =	simm.s32 @!p2 $0x0  }
0x1d: {  	s5 =	simm.s32 @p1 $0x1;
	p0 =	seq.s32 s7, s2  }
0x1e: {  	s7 =	smul.u32 @!p0 $0xF7A, s2;
	p2 =	seq.s32 @!p0 s5, $0x0  }
0x1f: {  	s9 =	smul.u32 $0xF7A, s1;
	s8 =	simm.s32 @!p0 $0x1BF5;
	p2 =	por !p2, p0  }
0x20: {  	[sflag:s8] =	ssyncset.s32 @!p0 $0xFFFFF086;
	s6 =	sadd.s32 @!p0 s3, s7;
	s7 =	simm.s32 @!p0 $0x108  }
0x21: {  	s3 =	sadd.s32 s3, s9;
	s6 =	sadd.s32 @!p0 $0x88, s6;
	s7 =	simm.s32 @p2 $0x1082  }
0x22: {  	[simem:s7], [sflag:s8] =	dma.local @!p0 [hbm:s6], $0xF7A  }
0x23: {  	s9 =	sor.u32 $0xD0000000, s2;
	s6 =	simm.s32 $0x108;
	_ =	swait.ge @!p0 [sflag:s8], $0x0  }
0x24: {  	s3 =	sadd.s32 $0x88, s3;
	s6 =	simm.s32 @!p1 $0x1082;
	[sflag:s4] =	ssyncset.s32 $0xFFFFF086  }
0x25: {  	[simem:s6], [sflag:s4] =	dma.local [hbm:s3], $0xF7A  }
0x26: {  	[smem:$0x3F99] =	sst s1;
	(tag) =	ssettag s2;
	_ =	strace s9  }
0x27: {  	s1 =	sld [smem:$0x3FA9]  }
0x28: {  	s2 =	sld [smem:$0x3FAA]  }
0x29: {  	s4 =	sld [smem:$0x3FAC]  }
0x2a: {  	p0 =	seq.s32 s5, $0x0;
	s5 =	sld [smem:$0x3FAD]  }
0x2b: {  	s6 =	sld [smem:$0x3FAE]  }
0x2c: {  	s7 =	sld [smem:$0x3FAF]  }
0x2d: {  	s3 =	simm.s32 $0x108;
	s8 =	sld [smem:$0x3FB0]  }
0x2e: {  	s3 =	simm.s32 @!p0 $0x1082;
	s9 =	sld [smem:$0x3FB1]  }
0x2f: {  	lr =	sadd.s32 s0, s3;
	s0 =	sld [smem:$0x3FA8]  }
0x30: {  	s3 =	sld [smem:$0x3FAB]  }
0x31: {  	[smem:$0x3FB4] =	sst s10  }
0x32: {  	s10 =	sld [smem:$0x3FB2];
	_ =	sdelay $0x3  }
0x33: {  	p0 =	seq.s32 s10, $0x1;
	s10 =	sld [smem:$0x3FB4];
	_ =	sdelay $0x3  }
0x34: {  	[smem:$0x3FB4] =	sst s10  }
0x35: {  	s10 =	sld [smem:$0x3FB3];
	_ =	sdelay $0x3  }
0x36: {  	p1 =	seq.s32 s10, $0x1;
	s10 =	sld [smem:$0x3FB4];
	_ =	sdelay $0x3  }
0x37: {  	[smem:$0x3FB4] =	sst s10  }
0x38: {  	s10 =	sld [smem:$0x3FB5]  }
0x39: {  	_ = 	snop;
	(pc) =	sbr.ind lr, $3  }
0x3a: {  	_ = 	snop  }
0x3b: {  	_ = 	snop  }
0x3c: {  	p2 =	seq.s32 s10, $0x1;
	s10 =	sld [smem:$0x3FB4]  }
0x3d: {  	_ =	shalt  }
0x3e: {  	_ =	shalt  }
0x3f: {  	_ =	shalt  }
0x40: {  	_ =	shalt  }
0x41: {  	_ =	shalt  }
0x42: {  	_ =	shalt  }
0x43: {  	_ =	shalt  }
0x44: {  	_ =	shalt  }
0x45: {  	_ =	shalt  }
0x46: {  	_ =	shalt  }
0x47: {  	_ =	shalt  }
0x48: {  	_ =	shalt  }
0x49: {  	_ =	shalt  }
0x4a: {  	_ =	shalt  }
0x4b: {  	_ =	shalt  }
0x4c: {  	_ =	shalt  }
0x4d: {  	_ =	shalt  }
0x4e: {  	_ =	shalt  }
0x4f: {  	_ =	shalt  }
0x50: {  	_ =	shalt  }
0x51: {  	_ =	shalt  }
0x52: {  	_ =	shalt  }
0x53: {  	_ =	shalt  }
0x54: {  	_ =	shalt  }
0x55: {  	_ =	shalt  }
0x56: {  	_ =	shalt  }
0x57: {  	_ =	shalt  }
0x58: {  	_ =	shalt  }
0x59: {  	_ =	shalt  }
0x5a: {  	_ =	shalt  }
0x5b: {  	_ =	shalt  }
0x5c: {  	_ =	shalt  }
0x5d: {  	_ =	shalt  }
0x5e: {  	_ =	shalt  }
0x5f: {  	_ =	shalt  }
0x60: {  	_ =	shalt  }
0x61: {  	_ =	shalt  }
0x62: {  	_ =	shalt  }
0x63: {  	_ =	shalt  }
0x64: {  	_ =	shalt  }
0x65: {  	_ =	shalt  }
0x66: {  	_ =	shalt  }
0x67: {  	_ =	shalt  }
0x68: {  	_ =	shalt  }
0x69: {  	_ =	shalt  }
0x6a: {  	_ =	shalt  }
0x6b: {  	_ =	shalt  }
0x6c: {  	_ =	shalt  }
0x6d: {  	_ =	shalt  }
0x6e: {  	_ =	shalt  }
0x6f: {  	_ =	shalt  }
0x70: {  	_ =	shalt  }
0x71: {  	_ =	shalt  }
0x72: {  	_ =	shalt  }
0x73: {  	_ =	shalt  }
0x74: {  	_ =	shalt  }
0x75: {  	_ =	shalt  }
0x76: {  	_ =	shalt  }
0x77: {  	_ =	shalt  }
0x78: {  	_ =	shalt  }
0x79: {  	_ =	shalt  }
0x7a: {  	_ =	shalt  }
0x7b: {  	_ =	shalt  }
0x7c: {  	_ =	shalt  }
0x7d: {  	_ =	shalt  }
0x7e: {  	_ =	shalt  }
0x7f: {  	_ =	shalt  }
0x80: {  	_ =	shalt  }
0x81: {  	_ =	shalt  }
0x82: {  	_ =	shalt  }
0x83: {  	_ =	shalt  }
0x84: {  	_ =	shalt  }
0x85: {  	_ =	shalt  }
0x86: {  	_ =	shalt  }
0x87: {  	_ =	shalt  }
.Lfunc_end0:
.L_simem_size_0:
called_computation.1_lowered:
.L_overlay_start_0:
0x88: {  	s2 =	sld [smem:$0x3FD9]  }
0x89: {  	s3 =	sld [smem:$0x3FFE];
	_ =	sdelay $0x1  }
0x8a: {  	s1 =	srdreg.scid  }
0x8b: {  	s0 =	sand.u32 $0x1, s1  }
0x8c: {  	s17 =	sshll.u32 s0, $0xA;
	s2 =	sadd.s32 s3, s2  }
0x8d: {  	s2 =	sadd.s32 s2, s17  }
0x8e: {  	[smem:$0x3FC0] =	sst s2  }
0x8f: {  	_ = 	snop  }
0x90: {  	s2 =	sld [smem:$0x3FD0];
	(tm) =	ssettm $0x1  }
0x91: {  	s18 =	sld [smem:$0x3FFB];
	_ =	sdelay $0x3  }
0x92: {  	_ =	strace s18  }
0x93: {  	s3 =	sld [smem:$0x3FFC];
	_ =	sdelay $0x3  }
0x94: {  	_ =	strace s3  }
0x95: {  	s3 =	sld [smem:$0x3FFD];
	_ =	sdelay $0x3  }
0x96: {  	_ =	strace s3  }
0x97: {  	_ =	strace $0x8FFFFFFF  }
0x98: {  	s19 =	sld [smem:$0x3FDB];
	_ =	sdelay $0x1  }
0x99: {  	s4 =	simm.s32 $_scs_section_size  }
0x9a: {  	s5 =	simm.s32 $_size__tile_overlayer_lowered;
	s6 =	simm.s32 $_tile_overlayer_lowered  }
0x9b: {  	s22 =	simm.s32 $0x1BFF;
	s21 =	sshll.u32 s6, $0x1;
	s3 =	sadd.s32 s4, s19  }
0x9c: {  	s7 =	simm.s32 $0x0;
	s20 =	sshll.u32 s5, $0x1;
	s5 =	sadd.s32 s21, s3  }
0x9d: {  	[timem:s7], [sflag:s22] =	dma.local [hbm:s5], s20  }
0x9e: {  	_ =	swait.ge [sflag:s22], s20  }
0x9f: {  	s4 =	ssub.s32 $0x0, s20;
	[sflag:s22] =	ssyncset.done $0x0  }
0xa0: {  	[sflag:s22] =	ssyncadd.s32 s4;
	_ =	sdelay $0x1  }
0xa1: {  	s23 =	simm.s32 $0x1B8B  }
0xa2: {  	_ =	swait.ge [sflag:s23], $0x1  }
0xa3: {  	[sflag:s23] =	ssyncset.done $0x0  }
0xa4: {  	s25 =	simm.s32 $0x1B8E;
	s24 =	sld [smem:$0x3FFE];
	[sflag:s23] =	ssyncadd.s32 $0xFFFFFFFF  }
0xa5: {  	s26 =	simm.s32 $execute0_lowered;
	[smem:$0x3FD2] =	sst s25  }
0xa6: {  	s5 =	sshll.u32 s26, $0x1;
	_ =	strace $0x80000049;
	[dreg:$0x1] =	wrdreg $0xFFFFFFFF  }
0xa7: {  	s28 =	simm.s32 $_size_execute0_lowered;
	s3 =	sadd.s32 s3, s5;
	[dreg:$0x0] =	wrdreg $0x0  }
0xa8: {  	s5 =	sshll.u32 s28, $0x1;
	[dreg:$0x2] =	wrdreg s3  }
0xa9: {  	[dreg:$0x3] =	wrdreg s5  }
0xaa: {  	[dreg:$0x4] =	wrdreg $0xC0  }
0xab: {  	_ =	task [dreg:s7], $0x5FFFF  }
0xac: {  	[dreg:$0x1] =	wrdreg $0xFFFFFFFF  }
0xad: {  	[dreg:$0x0] =	wrdreg $0x60  }
0xae: {  	[dreg:$0x2] =	wrdreg s24  }
0xaf: {  	[dreg:$0x3] =	wrdreg s2  }
0xb0: {  	[dreg:$0x4] =	wrdreg $0x82000  }
0xb1: {  	[dreg:$0x5] =	wrdreg $0x9  }
0xb2: {  	_ =	task.clear_ibuf [dreg:s7], $0x6FFFF;
	_ =	strace $0x90000049  }
0xb3: {  	s29 =	simm.s32 $0x9;
	_ =	strace $0x8000004B  }
0xb4: {  	_ =	swait.ge [sflag:s29], $0x1  }
0xb5: {  	[sflag:s29] =	ssyncadd.s32 $0xFFFFFFFF  }
0xb6: {  	_ =	strace $0x9000004B  }
0xb7: {  	_ =	sfence  }
0xb8: {  	s30 =	sld [smem:$0x0];
	_ =	sdelay $0x2  }
0xb9: {  	s31 =	sshll.u32 s1, $0xD;
	s1 =	sshrl.u32 s1, $0x2  }
0xba: {  	s3 =	sand.u32 $0x4000, s31;
	s1 =	sadd.s32 s1, s30  }
0xbb: {  	s0 =	sor.u32 s3, s0;
	s1 =	sshll.u32 s1, $0x11  }
0xbc: {  	s0 =	sor.u32 s1, s0  }
0xbd: {  	s0 =	sadd.s32 $0x8F2B, s0  }
0xbe: {  	[sflag:s0] =	ssyncadd.remote.s32 $0x1  }
0xbf: {  	_ =	sfence.sel $0xFFFF  }
0xc0: {  	[dreg:$0x0] =	wrdreg $0xFFFFFFFF;
	(pc) =	sbr.abs _section_cstart, $3  }
0xc1: {  	[dreg:$0x1] =	wrdreg $0xFFFFFFFF  }
0xc2: {  	_ =	task.clear_ibuf [dreg:s7], $0x2FFFF;
	_ =	strace $0x9FFFFFFF  }
0xc3: {  	(tm) =	ssettm $0x7FFFFFFF  }
tec
execute0_lowered:
.L_overlay_start_1:
0x0: {  	(tag) =	ssettag $0x1  }
0x1: {  	s6 =	rddreg [dreg:$0x0]  }
0x2: {  	s2 =	rddreg [dreg:$0x1]  }
0x3: {  	s3 =	rddreg [dreg:$0x2]  }
0x4: {  	s0 =	rddreg [dreg:$0x3];
	s5 =	srdreg.scid  }
0x5: {  	s1 =	stileid.u32;
	s4 =	simm.s32 $0x0;
	s16 =	simm.s32 $0x100  }
0x6: {  	s17 =	simm.s32 $0x4;
	s18 =	simm.s32 $0x4200;
	s19 =	simm.s32 $0x1  }
0x7: {  	s20 =	simm.s32 $0x3;
	s21 =	simm.s32 $0x2;
	s8 =	smul.u32 $0x2800, s1  }
0x8: {  	s22 =	simm.s32 $0x180;
	s7 =	sand.u32 $0x1, s5;
	s11 =	smul.u32 $0x50000, s1  }
0x9: {  	[smem:$0x7FF] =	sst s4;
	s5 =	sadd.s32 $0x20E00, s6;
	s31 =	smul.u32 $0x9E0, s1  }
0xa: {  	s10 =	sadd.s32 $0xD000, s6;
	s28 =	sshll.u32 s1, $0x6;
	s9 =	smul.u32 $0x28000, s7  }
0xb: {  	_ =	strace $0x8000004A;
	s23 =	sshll.u32 s7, $0x4;
	s24 =	ssub.s32 $0x2, s7  }
0xc: {  	s30 =	smul.u32 $0x9E00, s7;
	s25 =	sor.u32 s1, s23;
	s26 =	sshrl.u32 s24, $0x1  }
0xd: {  	s11 =	sshrl.u32 s11, $0x2;
	s23 =	simm.s32 $0x0;
	s8 =	sadd.s32 s8, s9  }
0xe: {  	s13 =	smul.u32 $0x4F00, s25;
	s14 =	ssub.s32 s24, s26;
	s15 =	sadd.s32 s11, s3  }
0xf: {  	s11 =	sadd.s32 s30, s10;
	s12 =	sadd.s32 s8, s6;
	s8 =	smul.u32 $0x9E0, s25  }
0x10: {  	s6 =	sor.u32 $0x1C05, s28;
	s11 =	sadd.s32 s31, s11;
	s29 =	sshrl.u32 s13, $0x3  }
0x11: {  	s13 =	simm.s32 $0x5;
	s9 =	sadd.s32 s10, s29;
	s7 =	sadd.s32 s10, s8  }
0x12: {  	s10 =	smax.u32 s14, $0x1;
	s14 =	simm.s32 $0x80;
	s8 =	sadd.s32 $0x20, s9  }
0x13: {  	s9 =	sadd.s32 $0x48000, s12;
	s12 =	sshrl.u32 s15, $0x3;
	s15 =	simm.s32 $0x200  }
.LBB2_1:
0x14: {  	[spmem:s12], [sflag:s6] =	dma.local [hbm:s2], $0x2800  }
0x15: {  	_ =	swait.ge [sflag:s13], $0x2800  }
0x16: {  	[sflag:s13] =	ssyncset.done $0x0  }
0x17: {  	[sflag:s13] =	ssyncadd.s32 $0xFFFFD800  }
0x18: {  	[bflag:$0x0] =	sbarrier.arrive $0xFFFF  }
0x19: {  	[tilespmem:s4], [sflag:$0x5] =	stream.linear.gather [hbm4b:s7+s4], $0x100, $0x38;
	[tilespmem:$0x1C200] =	vst v63  }
0x1a: {  	_ =	swait.ge [sflag:s13], $0x100  }
0x1b: {  	[sflag:s13] =	ssyncset.done $0x0  }
0x1c: {  	[sflag:s13] =	ssyncadd.s32 $0xFFFFFF00  }
0x1d: {  	[tilespmem:s15], [sflag:$0x1] =	stream.indirect.gather [hbm4b:s5+s14], $0x80, s4, s14, $0xb8;
	[tilespmem:$0x1C200] =	vst v63  }
0x1e: {  	_ = 	snop  }
0x1f: {  	[tilespmem:s16], [sflag:$0x4] =	stream.linear.gather [hbm4b:s8+s4], $0x100, $0x38;
	[tilespmem:$0x1C200] =	vst v63  }
0x20: {  	_ =	swait.ge [sflag:s17], $0x100  }
0x21: {  	[sflag:s17] =	ssyncset.done $0x0  }
0x22: {  	[sflag:s17] =	ssyncadd.s32 $0xFFFFFF00  }
0x23: {  	[tilespmem:s18], [sflag:$0x2] =	stream.indirect.gather [hbm4b:s5+s14], $0x80, s16, s14, $0xb8;
	[tilespmem:$0x1C200] =	vst v63  }
0x24: {  	_ =	swait.ge [sflag:s19], $0x4000  }
0x25: {  	[sflag:s19] =	ssyncset.done $0x0  }
0x26: {  	[sflag:s19] =	ssyncadd.s32 $0xFFFFC000  }
0x27: {  	[spmem:s3] =	stream.indirect.scatter.add.f32 [tilespmem:s15], [sflag:$0x5], $0x80, s14, s14, $0xb8;
	[tilespmem:$0x1C200] =	vst v63  }
0x28: {  	_ =	swait.ge [sflag:s13], $0x4000  }
0x29: {  	s25 =	sadd.s32 $0xFFFFF640, s11;
	[sflag:s13] =	ssyncset.done $0x0  }
0x2a: {  	s24 =	sadd.s32 $0xA00, s25;
	[sflag:s13] =	ssyncadd.s32 $0xFFFFC000  }
0x2b: {  	[tilespmem:s4], [sflag:$0x3] =	stream.linear.gather [hbm4b:s24+s4], $0x100, $0x38;
	[tilespmem:$0x1C200] =	vst v63  }
0x2c: {  	_ =	swait.ge [sflag:s20], $0x100  }
0x2d: {  	[sflag:s20] =	ssyncset.done $0x0  }
0x2e: {  	[sflag:s20] =	ssyncadd.s32 $0xFFFFFF00  }
0x2f: {  	[tilespmem:s15], [sflag:$0x1] =	stream.indirect.gather [hbm4b:s5+s14], $0x80, s4, s14, $0xb8;
	[tilespmem:$0x1C200] =	vst v63  }
0x30: {  	_ =	swait.ge [sflag:s21], $0x4000  }
0x31: {  	[sflag:s21] =	ssyncset.done $0x0  }
0x32: {  	[sflag:s21] =	ssyncadd.s32 $0xFFFFC000  }
0x33: {  	[spmem:s3] =	stream.indirect.scatter.add.f32 [tilespmem:s18], [sflag:$0x5], $0x80, s22, s14, $0xb8;
	[tilespmem:$0x1C200] =	vst v63  }
0x34: {  	_ =	swait.ge [sflag:s13], $0x4000  }
0x35: {  	[sflag:s13] =	ssyncset.done $0x0  }
0x36: {  	s25 =	sadd.s32 $0xA20, s25;
	s24 =	simm.s32 $0xFFFFF680;
	[sflag:s13] =	ssyncadd.s32 $0xFFFFC000  }
.LBB2_2:
0x37: {  	[tilespmem:s16], [sflag:$0x4] =	stream.linear.gather [hbm4b:s25+s4], $0x100, $0x38;
	[tilespmem:$0x1C200] =	vst v63  }
0x38: {  	s25 =	smov.u32 s24  }
0x39: {  	p0 =	sne.s32 s24, $0xFFFFFFC0;
	s24 =	sadd.s32 $0x40, s24;
	_ =	swait.ge [sflag:s17], $0x100  }
0x3a: {  	[sflag:s17] =	ssyncset.done $0x0  }
0x3b: {  	[sflag:s17] =	ssyncadd.s32 $0xFFFFFF00  }
0x3c: {  	[tilespmem:s18], [sflag:$0x2] =	stream.indirect.gather [hbm4b:s5+s14], $0x80, s16, s14, $0xb8;
	[tilespmem:$0x1C200] =	vst v63  }
0x3d: {  	_ =	swait.ge [sflag:s19], $0x4000  }
0x3e: {  	[sflag:s19] =	ssyncset.done $0x0  }
0x3f: {  	[sflag:s19] =	ssyncadd.s32 $0xFFFFC000  }
0x40: {  	[spmem:s3] =	stream.indirect.scatter.add.f32 [tilespmem:s15], [sflag:$0x5], $0x80, s14, s14, $0xb8;
	[tilespmem:$0x1C200] =	vst v63  }
0x41: {  	_ =	swait.ge [sflag:s13], $0x4000  }
0x42: {  	s25 =	sadd.s32 s25, s11;
	[sflag:s13] =	ssyncset.done $0x0  }
0x43: {  	s26 =	sadd.s32 $0xA00, s25;
	[sflag:s13] =	ssyncadd.s32 $0xFFFFC000  }
0x44: {  	[tilespmem:s4], [sflag:$0x3] =	stream.linear.gather [hbm4b:s26+s4], $0x100, $0x38;
	[tilespmem:$0x1C200] =	vst v63  }
0x45: {  	_ =	swait.ge [sflag:s20], $0x100  }
0x46: {  	[sflag:s20] =	ssyncset.done $0x0  }
0x47: {  	[sflag:s20] =	ssyncadd.s32 $0xFFFFFF00  }
0x48: {  	[tilespmem:s15], [sflag:$0x1] =	stream.indirect.gather [hbm4b:s5+s14], $0x80, s4, s14, $0xb8;
	[tilespmem:$0x1C200] =	vst v63  }
0x49: {  	_ =	swait.ge [sflag:s21], $0x4000  }
0x4a: {  	[sflag:s21] =	ssyncset.done $0x0  }
.Ltmp0:
0x4b: {  	[sflag:s21] =	ssyncadd.s32 $0xFFFFC000;
	(pc) =	sbr.rel @p0 .LBB2_2-.Ltmp0, $4  }
0x4c: {  	[spmem:s3] =	stream.indirect.scatter.add.f32 [tilespmem:s18], [sflag:$0x5], $0x80, s22, s14, $0xb8;
	[tilespmem:$0x1C200] =	vst v63  }
0x4d: {  	_ =	swait.ge [sflag:s13], $0x4000  }
0x4e: {  	[sflag:s13] =	ssyncset.done $0x0  }
0x4f: {  	s25 =	sadd.s32 $0xA20, s25;
	[sflag:s13] =	ssyncadd.s32 $0xFFFFC000  }
0x50: {  	[tilespmem:s16], [sflag:$0x4] =	stream.linear.gather [hbm4b:s25+s4], $0x100, $0x38;
	[tilespmem:$0x1C200] =	vst v63  }
0x51: {  	_ =	swait.ge [sflag:s19], $0x4000  }
0x52: {  	[sflag:s19] =	ssyncset.done $0x0  }
0x53: {  	[sflag:s19] =	ssyncadd.s32 $0xFFFFC000  }
0x54: {  	[spmem:s3] =	stream.indirect.scatter.add.f32 [tilespmem:s15], [sflag:$0x5], $0x80, s14, s14, $0xb8;
	[tilespmem:$0x1C200] =	vst v63  }
0x55: {  	_ =	swait.ge [sflag:s13], $0x4000  }
0x56: {  	[sflag:s13] =	ssyncset.done $0x0  }
0x57: {  	[sflag:s13] =	ssyncadd.s32 $0xFFFFC000  }
0x58: {  	_ =	swait.ge [sflag:s17], $0x100  }
0x59: {  	s23 =	sadd.s32 $0x1, s23;
	[sflag:s17] =	ssyncset.done $0x0  }
0x5a: {  	p0 =	sne.s32 s23, s10;
	[sflag:s17] =	ssyncadd.s32 $0xFFFFFF00  }
.Ltmp1:
0x5b: {  	[bflag:$0x0] =	sbarrier.arrive $0xFFFF;
	(pc) =	sbr.rel @p0 .LBB2_1-.Ltmp1, $4  }
0x5c: {  	[hbm:s9], [sflag:s6] =	dma.local [spmem:s12], $0x2800  }
0x5d: {  	_ =	swait.ge [sflag:s13], $0x2800  }
0x5e: {  	[sflag:s13] =	ssyncset.done $0x0  }
0x5f: {  	[sflag:s13] =	ssyncadd.s32 $0xFFFFD800  }
0x60: {  	_ =	sfence.sel $0x180000  }
0x61: {  	[bflag:$0x0] =	sbarrier.arrive $0xFFFF  }
0x62: {  	p0 =	sne.s32 s1, $0x0;
	_ =	strace $0x9000004A  }
0x63: {  	s0 =	sadd.s32 @!p0 $0x100000, s0;
	[bflag:$0x2] =	sbarrier.arrive $0xFFFF  }
0x64: {  	[sflag:s0] =	ssyncadd.tile.s32 @!p0 $0x1;
	_ =	shalt  }
.Lfunc_end2:
_tile_overlayer_lowered:
.L_overlay_start_2:
0x65: {  	(tag) =	ssettag $0x2  }
0x66: {  	s0 =	rddreg [dreg:$0x0];
	s2 =	stileid.u32  }
0x67: {  	s1 =	rddreg [dreg:$0x1];
	p0 =	sne.s32 s2, $0x0  }
0x68: {  	s3 =	rddreg [dreg:$0x2];
	[bflag:$0x3] =	sbarrier.arrive $0xFFFF;
	s2 =	simm.s32 @!p0 $0x1C05  }
0x69: {  	[timem:s3], [sflag:s2] =	dma.local @!p0 [hbm:s0], s1  }
0x6a: {  	s0 =	simm.s32 @!p0 $0x5  }
0x6b: {  	_ =	swait.ge @!p0 [sflag:s0], s1  }
0x6c: {  	s1 =	ssub.s32 @!p0 $0x0, s1;
	[sflag:s0] =	ssyncset.done @!p0 $0x0  }
0x6d: {  	[sflag:s0] =	ssyncadd.s32 @!p0 s1  }
0x6e: {  	[bflag:$0x3] =	sbarrier.arrive $0xFFFF  }
0x6f: {  	_ =	shalt  }

// kernel: kernel.17.cloned.1.call-start
scs
__scs_entry_jumppad:
0x0: {  	(pc) =	sbr.rel $0x88, $3  }
0x1: {  	(tag) =	ssettag $0x0;
	lr =	simm.s32 $0x1  }
0x2: {  	[smem:$0x3F99] =	sst lr;
	_ =	strace $0xD0000000  }
0x3: {  	_ = 	snop  }
0x4: {  	_ = 	snop  }
0x5: {  	_ = 	snop  }
0x6: {  	_ = 	snop  }
0x7: {  	_ = 	snop  }
__scs_overlays_trampoline_lowered:
0x8: {  	[smem:$0x3FA8] =	sst s0  }
0x9: {  	[smem:$0x3FA9] =	sst s1  }
0xa: {  	[smem:$0x3FAA] =	sst s2  }
0xb: {  	[smem:$0x3FAB] =	sst s3  }
0xc: {  	[smem:$0x3FAC] =	sst s4  }
0xd: {  	[smem:$0x3FAD] =	sst s5  }
0xe: {  	[smem:$0x3FAE] =	sst s6  }
0xf: {  	[smem:$0x3FAF] =	sst s7  }
0x10: {  	[smem:$0x3FB0] =	sst s8  }
0x11: {  	[smem:$0x3FB1] =	sst s9;
	s0 =	simm.s32 @!p0 $0x0  }
0x12: {  	s1 =	sld [smem:$0x3F97];
	s0 =	simm.s32 @p0 $0x1  }
0x13: {  	[smem:$0x3FB2] =	sst s0;
	s0 =	simm.s32 @!p1 $0x0  }
0x14: {  	s2 =	sld [smem:$0x3F96];
	s0 =	simm.s32 @p1 $0x1  }
0x15: {  	[smem:$0x3FB3] =	sst s0;
	s0 =	simm.s32 @!p2 $0x0  }
0x16: {  	s3 =	sld [smem:$0x3FDB];
	s0 =	simm.s32 @p2 $0x1  }
0x17: {  	s4 =	simm.s32 $0x1BF5;
	[smem:$0x3FB5] =	sst s0  }
0x18: {  	s0 =	sld [smem:$0x3F98];
	_ =	swait.ge [sflag:s4], $0x0  }
0x19: {  	s7 =	sld [smem:$0x3F99]  }
0x1a: {  	s8 =	sadd.s32 $0xFFFFE003, lr  }
0x1b: {  	s9 =	sadd.s32 $0xFFFFFEF7, lr;
	s5 =	simm.s32 $0xFFFFFFFF;
	p2 =	slt.u32 s8, $0xFFFFF086  }
0x1c: {  	p1 =	slt.u32 s9, $0xF7A;
	s5 =	simm.s32 @!p2 $0x0  }
0x1d: {  	s5 =	simm.s32 @p1 $0x1;
	p0 =	seq.s32 s7, s2  }
0x1e: {  	s7 =	smul.u32 @!p0 $0xF7A, s2;
	p2 =	seq.s32 @!p0 s5, $0x0  }
0x1f: {  	s9 =	smul.u32 $0xF7A, s1;
	s8 =	simm.s32 @!p0 $0x1BF5;
	p2 =	por !p2, p0  }
0x20: {  	[sflag:s8] =	ssyncset.s32 @!p0 $0xFFFFF086;
	s6 =	sadd.s32 @!p0 s3, s7;
	s7 =	simm.s32 @!p0 $0x108  }
0x21: {  	s3 =	sadd.s32 s3, s9;
	s6 =	sadd.s32 @!p0 $0x88, s6;
	s7 =	simm.s32 @p2 $0x1082  }
0x22: {  	[simem:s7], [sflag:s8] =	dma.local @!p0 [hbm:s6], $0xF7A  }
0x23: {  	s9 =	sor.u32 $0xD0000000, s2;
	s6 =	simm.s32 $0x108;
	_ =	swait.ge @!p0 [sflag:s8], $0x0  }
0x24: {  	s3 =	sadd.s32 $0x88, s3;
	s6 =	simm.s32 @!p1 $0x1082;
	[sflag:s4] =	ssyncset.s32 $0xFFFFF086  }
0x25: {  	[simem:s6], [sflag:s4] =	dma.local [hbm:s3], $0xF7A  }
0x26: {  	[smem:$0x3F99] =	sst s1;
	(tag) =	ssettag s2;
	_ =	strace s9  }
0x27: {  	s1 =	sld [smem:$0x3FA9]  }
0x28: {  	s2 =	sld [smem:$0x3FAA]  }
0x29: {  	s4 =	sld [smem:$0x3FAC]  }
0x2a: {  	p0 =	seq.s32 s5, $0x0;
	s5 =	sld [smem:$0x3FAD]  }
0x2b: {  	s6 =	sld [smem:$0x3FAE]  }
0x2c: {  	s7 =	sld [smem:$0x3FAF]  }
0x2d: {  	s3 =	simm.s32 $0x108;
	s8 =	sld [smem:$0x3FB0]  }
0x2e: {  	s3 =	simm.s32 @!p0 $0x1082;
	s9 =	sld [smem:$0x3FB1]  }
0x2f: {  	lr =	sadd.s32 s0, s3;
	s0 =	sld [smem:$0x3FA8]  }
0x30: {  	s3 =	sld [smem:$0x3FAB]  }
0x31: {  	[smem:$0x3FB4] =	sst s10  }
0x32: {  	s10 =	sld [smem:$0x3FB2];
	_ =	sdelay $0x3  }
0x33: {  	p0 =	seq.s32 s10, $0x1;
	s10 =	sld [smem:$0x3FB4];
	_ =	sdelay $0x3  }
0x34: {  	[smem:$0x3FB4] =	sst s10  }
0x35: {  	s10 =	sld [smem:$0x3FB3];
	_ =	sdelay $0x3  }
0x36: {  	p1 =	seq.s32 s10, $0x1;
	s10 =	sld [smem:$0x3FB4];
	_ =	sdelay $0x3  }
0x37: {  	[smem:$0x3FB4] =	sst s10  }
0x38: {  	s10 =	sld [smem:$0x3FB5]  }
0x39: {  	_ = 	snop;
	(pc) =	sbr.ind lr, $3  }
0x3a: {  	_ = 	snop  }
0x3b: {  	_ = 	snop  }
0x3c: {  	p2 =	seq.s32 s10, $0x1;
	s10 =	sld [smem:$0x3FB4]  }
0x3d: {  	_ =	shalt  }
0x3e: {  	_ =	shalt  }
0x3f: {  	_ =	shalt  }
0x40: {  	_ =	shalt  }
0x41: {  	_ =	shalt  }
0x42: {  	_ =	shalt  }
0x43: {  	_ =	shalt  }
0x44: {  	_ =	shalt  }
0x45: {  	_ =	shalt  }
0x46: {  	_ =	shalt  }
0x47: {  	_ =	shalt  }
0x48: {  	_ =	shalt  }
0x49: {  	_ =	shalt  }
0x4a: {  	_ =	shalt  }
0x4b: {  	_ =	shalt  }
0x4c: {  	_ =	shalt  }
0x4d: {  	_ =	shalt  }
0x4e: {  	_ =	shalt  }
0x4f: {  	_ =	shalt  }
0x50: {  	_ =	shalt  }
0x51: {  	_ =	shalt  }
0x52: {  	_ =	shalt  }
0x53: {  	_ =	shalt  }
0x54: {  	_ =	shalt  }
0x55: {  	_ =	shalt  }
0x56: {  	_ =	shalt  }
0x57: {  	_ =	shalt  }
0x58: {  	_ =	shalt  }
0x59: {  	_ =	shalt  }
0x5a: {  	_ =	shalt  }
0x5b: {  	_ =	shalt  }
0x5c: {  	_ =	shalt  }
0x5d: {  	_ =	shalt  }
0x5e: {  	_ =	shalt  }
0x5f: {  	_ =	shalt  }
0x60: {  	_ =	shalt  }
0x61: {  	_ =	shalt  }
0x62: {  	_ =	shalt  }
0x63: {  	_ =	shalt  }
0x64: {  	_ =	shalt  }
0x65: {  	_ =	shalt  }
0x66: {  	_ =	shalt  }
0x67: {  	_ =	shalt  }
0x68: {  	_ =	shalt  }
0x69: {  	_ =	shalt  }
0x6a: {  	_ =	shalt  }
0x6b: {  	_ =	shalt  }
0x6c: {  	_ =	shalt  }
0x6d: {  	_ =	shalt  }
0x6e: {  	_ =	shalt  }
0x6f: {  	_ =	shalt  }
0x70: {  	_ =	shalt  }
0x71: {  	_ =	shalt  }
0x72: {  	_ =	shalt  }
0x73: {  	_ =	shalt  }
0x74: {  	_ =	shalt  }
0x75: {  	_ =	shalt  }
0x76: {  	_ =	shalt  }
0x77: {  	_ =	shalt  }
0x78: {  	_ =	shalt  }
0x79: {  	_ =	shalt  }
0x7a: {  	_ =	shalt  }
0x7b: {  	_ =	shalt  }
0x7c: {  	_ =	shalt  }
0x7d: {  	_ =	shalt  }
0x7e: {  	_ =	shalt  }
0x7f: {  	_ =	shalt  }
0x80: {  	_ =	shalt  }
0x81: {  	_ =	shalt  }
0x82: {  	_ =	shalt  }
0x83: {  	_ =	shalt  }
0x84: {  	_ =	shalt  }
0x85: {  	_ =	shalt  }
0x86: {  	_ =	shalt  }
0x87: {  	_ =	shalt  }
.Lfunc_end0:
.L_simem_size_0:
called_computation.2_lowered:
.L_overlay_start_0:
0x88: {  	s2 =	sld [smem:$0x3FD9]  }
0x89: {  	s3 =	sld [smem:$0x3FFE];
	_ =	sdelay $0x1  }
0x8a: {  	s1 =	srdreg.scid  }
0x8b: {  	s0 =	sand.u32 $0x1, s1  }
0x8c: {  	s17 =	sshll.u32 s0, $0xA;
	s2 =	sadd.s32 s3, s2  }
0x8d: {  	s2 =	sadd.s32 s2, s17  }
0x8e: {  	[smem:$0x3FC0] =	sst s2  }
0x8f: {  	_ = 	snop  }
0x90: {  	s2 =	sld [smem:$0x3FD0];
	(tm) =	ssettm $0x1  }
0x91: {  	s18 =	sld [smem:$0x3FFB];
	_ =	sdelay $0x3  }
0x92: {  	_ =	strace s18  }
0x93: {  	s3 =	sld [smem:$0x3FFC];
	_ =	sdelay $0x3  }
0x94: {  	_ =	strace s3  }
0x95: {  	s3 =	sld [smem:$0x3FFD];
	_ =	sdelay $0x3  }
0x96: {  	_ =	strace s3  }
0x97: {  	_ =	strace $0x8FFFFFFF  }
0x98: {  	s19 =	sld [smem:$0x3FDB];
	_ =	sdelay $0x1  }
0x99: {  	s4 =	simm.s32 $_scs_section_size  }
0x9a: {  	s5 =	simm.s32 $_size__tile_overlayer_lowered;
	s6 =	simm.s32 $_tile_overlayer_lowered  }
0x9b: {  	s22 =	simm.s32 $0x1BFF;
	s21 =	sshll.u32 s6, $0x1;
	s3 =	sadd.s32 s4, s19  }
0x9c: {  	s7 =	simm.s32 $0x0;
	s20 =	sshll.u32 s5, $0x1;
	s5 =	sadd.s32 s21, s3  }
0x9d: {  	[timem:s7], [sflag:s22] =	dma.local [hbm:s5], s20  }
0x9e: {  	_ =	swait.ge [sflag:s22], s20  }
0x9f: {  	s4 =	ssub.s32 $0x0, s20;
	[sflag:s22] =	ssyncset.done $0x0  }
0xa0: {  	[sflag:s22] =	ssyncadd.s32 s4;
	_ =	sdelay $0x1  }
0xa1: {  	s23 =	simm.s32 $0x1B8B  }
0xa2: {  	_ =	swait.ge [sflag:s23], $0x1  }
0xa3: {  	[sflag:s23] =	ssyncset.done $0x0  }
0xa4: {  	s25 =	simm.s32 $0x1B8E;
	s24 =	sld [smem:$0x3FFE];
	[sflag:s23] =	ssyncadd.s32 $0xFFFFFFFF  }
0xa5: {  	s26 =	simm.s32 $execute0_lowered;
	[smem:$0x3FD2] =	sst s25  }
0xa6: {  	s5 =	sshll.u32 s26, $0x1;
	_ =	strace $0x8000004C;
	[dreg:$0x1] =	wrdreg $0xFFFFFFFF  }
0xa7: {  	s28 =	simm.s32 $_size_execute0_lowered;
	s3 =	sadd.s32 s3, s5;
	[dreg:$0x0] =	wrdreg $0x0  }
0xa8: {  	s5 =	sshll.u32 s28, $0x1;
	[dreg:$0x2] =	wrdreg s3  }
0xa9: {  	[dreg:$0x3] =	wrdreg s5  }
0xaa: {  	[dreg:$0x4] =	wrdreg $0xC0  }
0xab: {  	_ =	task [dreg:s7], $0x5FFFF  }
0xac: {  	[dreg:$0x1] =	wrdreg $0xFFFFFFFF  }
0xad: {  	[dreg:$0x0] =	wrdreg $0x60  }
0xae: {  	[dreg:$0x2] =	wrdreg s24  }
0xaf: {  	[dreg:$0x3] =	wrdreg s2  }
0xb0: {  	[dreg:$0x4] =	wrdreg $0x82000  }
0xb1: {  	[dreg:$0x5] =	wrdreg $0x9  }
0xb2: {  	_ =	task.clear_ibuf [dreg:s7], $0x6FFFF;
	_ =	strace $0x9000004C  }
0xb3: {  	s29 =	simm.s32 $0x9;
	_ =	strace $0x8000004E  }
0xb4: {  	_ =	swait.ge [sflag:s29], $0x1  }
0xb5: {  	[sflag:s29] =	ssyncadd.s32 $0xFFFFFFFF  }
0xb6: {  	_ =	strace $0x9000004E  }
0xb7: {  	_ =	sfence  }
0xb8: {  	s30 =	sld [smem:$0x0];
	_ =	sdelay $0x2  }
0xb9: {  	s31 =	sshll.u32 s1, $0xD;
	s1 =	sshrl.u32 s1, $0x2  }
0xba: {  	s3 =	sand.u32 $0x4000, s31;
	s1 =	sadd.s32 s1, s30  }
0xbb: {  	s0 =	sor.u32 s3, s0;
	s1 =	sshll.u32 s1, $0x11  }
0xbc: {  	s0 =	sor.u32 s1, s0  }
0xbd: {  	s0 =	sadd.s32 $0x8F2B, s0  }
0xbe: {  	[sflag:s0] =	ssyncadd.remote.s32 $0x1  }
0xbf: {  	_ =	sfence.sel $0xFFFF  }
0xc0: {  	[dreg:$0x0] =	wrdreg $0xFFFFFFFF;
	(pc) =	sbr.abs _section_cstart, $3  }
0xc1: {  	[dreg:$0x1] =	wrdreg $0xFFFFFFFF  }
0xc2: {  	_ =	task.clear_ibuf [dreg:s7], $0x2FFFF;
	_ =	strace $0x9FFFFFFF  }
0xc3: {  	(tm) =	ssettm $0x7FFFFFFF  }
tec
execute0_lowered:
.L_overlay_start_1:
0x0: {  	(tag) =	ssettag $0x1  }
0x1: {  	s6 =	rddreg [dreg:$0x0]  }
0x2: {  	s2 =	rddreg [dreg:$0x1]  }
0x3: {  	s3 =	rddreg [dreg:$0x2]  }
0x4: {  	s0 =	rddreg [dreg:$0x3];
	s5 =	srdreg.scid  }
0x5: {  	s1 =	stileid.u32;
	s4 =	simm.s32 $0x0;
	s16 =	simm.s32 $0x100  }
0x6: {  	s17 =	simm.s32 $0x4;
	s18 =	simm.s32 $0x4200;
	s19 =	simm.s32 $0x1  }
0x7: {  	s20 =	simm.s32 $0x3;
	s21 =	simm.s32 $0x2;
	s8 =	smul.u32 $0x2800, s1  }
0x8: {  	s22 =	simm.s32 $0x180;
	s7 =	sand.u32 $0x1, s5;
	s11 =	smul.u32 $0x50000, s1  }
0x9: {  	[smem:$0x7FF] =	sst s4;
	s5 =	sadd.s32 $0x20E00, s6;
	s31 =	smul.u32 $0x9E0, s1  }
0xa: {  	s10 =	sadd.s32 $0xD000, s6;
	s28 =	sshll.u32 s1, $0x6;
	s9 =	smul.u32 $0x28000, s7  }
0xb: {  	_ =	strace $0x8000004D;
	s23 =	sshll.u32 s7, $0x4;
	s24 =	ssub.s32 $0x2, s7  }
0xc: {  	s30 =	smul.u32 $0x9E00, s7;
	s25 =	sor.u32 s1, s23;
	s26 =	sshrl.u32 s24, $0x1  }
0xd: {  	s11 =	sshrl.u32 s11, $0x2;
	s23 =	simm.s32 $0x0;
	s8 =	sadd.s32 s8, s9  }
0xe: {  	s13 =	smul.u32 $0x4F00, s25;
	s14 =	ssub.s32 s24, s26;
	s15 =	sadd.s32 s11, s3  }
0xf: {  	s11 =	sadd.s32 s30, s10;
	s12 =	sadd.s32 s8, s6;
	s8 =	smul.u32 $0x9E0, s25  }
0x10: {  	s6 =	sor.u32 $0x1C05, s28;
	s11 =	sadd.s32 s31, s11;
	s29 =	sshrl.u32 s13, $0x3  }
0x11: {  	s13 =	simm.s32 $0x5;
	s9 =	sadd.s32 s10, s29;
	s7 =	sadd.s32 s10, s8  }
0x12: {  	s10 =	smax.u32 s14, $0x1;
	s14 =	simm.s32 $0x80;
	s8 =	sadd.s32 $0x20, s9  }
0x13: {  	s9 =	sadd.s32 $0x48000, s12;
	s12 =	sshrl.u32 s15, $0x3;
	s15 =	simm.s32 $0x200  }
.LBB2_1:
0x14: {  	[spmem:s12], [sflag:s6] =	dma.local [hbm:s2], $0x2800  }
0x15: {  	_ =	swait.ge [sflag:s13], $0x2800  }
0x16: {  	[sflag:s13] =	ssyncset.done $0x0  }
0x17: {  	[sflag:s13] =	ssyncadd.s32 $0xFFFFD800  }
0x18: {  	[bflag:$0x0] =	sbarrier.arrive $0xFFFF  }
0x19: {  	[tilespmem:s4], [sflag:$0x5] =	stream.linear.gather [hbm4b:s7+s4], $0x100, $0x38;
	[tilespmem:$0x1C200] =	vst v63  }
0x1a: {  	_ =	swait.ge [sflag:s13], $0x100  }
0x1b: {  	[sflag:s13] =	ssyncset.done $0x0  }
0x1c: {  	[sflag:s13] =	ssyncadd.s32 $0xFFFFFF00  }
0x1d: {  	[tilespmem:s15], [sflag:$0x1] =	stream.indirect.gather [hbm4b:s5+s14], $0x80, s4, s14, $0xb8;
	[tilespmem:$0x1C200] =	vst v63  }
0x1e: {  	_ = 	snop  }
0x1f: {  	[tilespmem:s16], [sflag:$0x4] =	stream.linear.gather [hbm4b:s8+s4], $0x100, $0x38;
	[tilespmem:$0x1C200] =	vst v63  }
0x20: {  	_ =	swait.ge [sflag:s17], $0x100  }
0x21: {  	[sflag:s17] =	ssyncset.done $0x0  }
0x22: {  	[sflag:s17] =	ssyncadd.s32 $0xFFFFFF00  }
0x23: {  	[tilespmem:s18], [sflag:$0x2] =	stream.indirect.gather [hbm4b:s5+s14], $0x80, s16, s14, $0xb8;
	[tilespmem:$0x1C200] =	vst v63  }
0x24: {  	_ =	swait.ge [sflag:s19], $0x4000  }
0x25: {  	[sflag:s19] =	ssyncset.done $0x0  }
0x26: {  	[sflag:s19] =	ssyncadd.s32 $0xFFFFC000  }
0x27: {  	[spmem:s3] =	stream.indirect.scatter.add.f32 [tilespmem:s15], [sflag:$0x5], $0x80, s14, s14, $0xb8;
	[tilespmem:$0x1C200] =	vst v63  }
0x28: {  	_ =	swait.ge [sflag:s13], $0x4000  }
0x29: {  	s25 =	sadd.s32 $0xFFFFF640, s11;
	[sflag:s13] =	ssyncset.done $0x0  }
0x2a: {  	s24 =	sadd.s32 $0xA00, s25;
	[sflag:s13] =	ssyncadd.s32 $0xFFFFC000  }
0x2b: {  	[tilespmem:s4], [sflag:$0x3] =	stream.linear.gather [hbm4b:s24+s4], $0x100, $0x38;
	[tilespmem:$0x1C200] =	vst v63  }
0x2c: {  	_ =	swait.ge [sflag:s20], $0x100  }
0x2d: {  	[sflag:s20] =	ssyncset.done $0x0  }
0x2e: {  	[sflag:s20] =	ssyncadd.s32 $0xFFFFFF00  }
0x2f: {  	[tilespmem:s15], [sflag:$0x1] =	stream.indirect.gather [hbm4b:s5+s14], $0x80, s4, s14, $0xb8;
	[tilespmem:$0x1C200] =	vst v63  }
0x30: {  	_ =	swait.ge [sflag:s21], $0x4000  }
0x31: {  	[sflag:s21] =	ssyncset.done $0x0  }
0x32: {  	[sflag:s21] =	ssyncadd.s32 $0xFFFFC000  }
0x33: {  	[spmem:s3] =	stream.indirect.scatter.add.f32 [tilespmem:s18], [sflag:$0x5], $0x80, s22, s14, $0xb8;
	[tilespmem:$0x1C200] =	vst v63  }
0x34: {  	_ =	swait.ge [sflag:s13], $0x4000  }
0x35: {  	[sflag:s13] =	ssyncset.done $0x0  }
0x36: {  	s25 =	sadd.s32 $0xA20, s25;
	s24 =	simm.s32 $0xFFFFF680;
	[sflag:s13] =	ssyncadd.s32 $0xFFFFC000  }
.LBB2_2:
0x37: {  	[tilespmem:s16], [sflag:$0x4] =	stream.linear.gather [hbm4b:s25+s4], $0x100, $0x38;
	[tilespmem:$0x1C200] =	vst v63  }
0x38: {  	s25 =	smov.u32 s24  }
0x39: {  	p0 =	sne.s32 s24, $0xFFFFFFC0;
	s24 =	sadd.s32 $0x40, s24;
	_ =	swait.ge [sflag:s17], $0x100  }
0x3a: {  	[sflag:s17] =	ssyncset.done $0x0  }
0x3b: {  	[sflag:s17] =	ssyncadd.s32 $0xFFFFFF00  }
0x3c: {  	[tilespmem:s18], [sflag:$0x2] =	stream.indirect.gather [hbm4b:s5+s14], $0x80, s16, s14, $0xb8;
	[tilespmem:$0x1C200] =	vst v63  }
0x3d: {  	_ =	swait.ge [sflag:s19], $0x4000  }
0x3e: {  	[sflag:s19] =	ssyncset.done $0x0  }
0x3f: {  	[sflag:s19] =	ssyncadd.s32 $0xFFFFC000  }
0x40: {  	[spmem:s3] =	stream.indirect.scatter.add.f32 [tilespmem:s15], [sflag:$0x5], $0x80, s14, s14, $0xb8;
	[tilespmem:$0x1C200] =	vst v63  }
0x41: {  	_ =	swait.ge [sflag:s13], $0x4000  }
0x42: {  	s25 =	sadd.s32 s25, s11;
	[sflag:s13] =	ssyncset.done $0x0  }
0x43: {  	s26 =	sadd.s32 $0xA00, s25;
	[sflag:s13] =	ssyncadd.s32 $0xFFFFC000  }
0x44: {  	[tilespmem:s4], [sflag:$0x3] =	stream.linear.gather [hbm4b:s26+s4], $0x100, $0x38;
	[tilespmem:$0x1C200] =	vst v63  }
0x45: {  	_ =	swait.ge [sflag:s20], $0x100  }
0x46: {  	[sflag:s20] =	ssyncset.done $0x0  }
0x47: {  	[sflag:s20] =	ssyncadd.s32 $0xFFFFFF00  }
0x48: {  	[tilespmem:s15], [sflag:$0x1] =	stream.indirect.gather [hbm4b:s5+s14], $0x80, s4, s14, $0xb8;
	[tilespmem:$0x1C200] =	vst v63  }
0x49: {  	_ =	swait.ge [sflag:s21], $0x4000  }
0x4a: {  	[sflag:s21] =	ssyncset.done $0x0  }
.Ltmp0:
0x4b: {  	[sflag:s21] =	ssyncadd.s32 $0xFFFFC000;
	(pc) =	sbr.rel @p0 .LBB2_2-.Ltmp0, $4  }
0x4c: {  	[spmem:s3] =	stream.indirect.scatter.add.f32 [tilespmem:s18], [sflag:$0x5], $0x80, s22, s14, $0xb8;
	[tilespmem:$0x1C200] =	vst v63  }
0x4d: {  	_ =	swait.ge [sflag:s13], $0x4000  }
0x4e: {  	[sflag:s13] =	ssyncset.done $0x0  }
0x4f: {  	s25 =	sadd.s32 $0xA20, s25;
	[sflag:s13] =	ssyncadd.s32 $0xFFFFC000  }
0x50: {  	[tilespmem:s16], [sflag:$0x4] =	stream.linear.gather [hbm4b:s25+s4], $0x100, $0x38;
	[tilespmem:$0x1C200] =	vst v63  }
0x51: {  	_ =	swait.ge [sflag:s19], $0x4000  }
0x52: {  	[sflag:s19] =	ssyncset.done $0x0  }
0x53: {  	[sflag:s19] =	ssyncadd.s32 $0xFFFFC000  }
0x54: {  	[spmem:s3] =	stream.indirect.scatter.add.f32 [tilespmem:s15], [sflag:$0x5], $0x80, s14, s14, $0xb8;
	[tilespmem:$0x1C200] =	vst v63  }
0x55: {  	_ =	swait.ge [sflag:s13], $0x4000  }
0x56: {  	[sflag:s13] =	ssyncset.done $0x0  }
0x57: {  	[sflag:s13] =	ssyncadd.s32 $0xFFFFC000  }
0x58: {  	_ =	swait.ge [sflag:s17], $0x100  }
0x59: {  	s23 =	sadd.s32 $0x1, s23;
	[sflag:s17] =	ssyncset.done $0x0  }
0x5a: {  	p0 =	sne.s32 s23, s10;
	[sflag:s17] =	ssyncadd.s32 $0xFFFFFF00  }
.Ltmp1:
0x5b: {  	[bflag:$0x0] =	sbarrier.arrive $0xFFFF;
	(pc) =	sbr.rel @p0 .LBB2_1-.Ltmp1, $4  }
0x5c: {  	[hbm:s9], [sflag:s6] =	dma.local [spmem:s12], $0x2800  }
0x5d: {  	_ =	swait.ge [sflag:s13], $0x2800  }
0x5e: {  	[sflag:s13] =	ssyncset.done $0x0  }
0x5f: {  	[sflag:s13] =	ssyncadd.s32 $0xFFFFD800  }
0x60: {  	_ =	sfence.sel $0x180000  }
0x61: {  	[bflag:$0x0] =	sbarrier.arrive $0xFFFF  }
0x62: {  	p0 =	sne.s32 s1, $0x0;
	_ =	strace $0x9000004D  }
0x63: {  	s0 =	sadd.s32 @!p0 $0x100000, s0;
	[bflag:$0x2] =	sbarrier.arrive $0xFFFF  }
0x64: {  	[sflag:s0] =	ssyncadd.tile.s32 @!p0 $0x1;
	_ =	shalt  }
.Lfunc_end2:
_tile_overlayer_lowered:
.L_overlay_start_2:
0x65: {  	(tag) =	ssettag $0x2  }
0x66: {  	s0 =	rddreg [dreg:$0x0];
	s2 =	stileid.u32  }
0x67: {  	s1 =	rddreg [dreg:$0x1];
	p0 =	sne.s32 s2, $0x0  }
0x68: {  	s3 =	rddreg [dreg:$0x2];
	[bflag:$0x3] =	sbarrier.arrive $0xFFFF;
	s2 =	simm.s32 @!p0 $0x1C05  }
0x69: {  	[timem:s3], [sflag:s2] =	dma.local @!p0 [hbm:s0], s1  }
0x6a: {  	s0 =	simm.s32 @!p0 $0x5  }
0x6b: {  	_ =	swait.ge @!p0 [sflag:s0], s1  }
0x6c: {  	s1 =	ssub.s32 @!p0 $0x0, s1;
	[sflag:s0] =	ssyncset.done @!p0 $0x0  }
0x6d: {  	[sflag:s0] =	ssyncadd.s32 @!p0 s1  }
0x6e: {  	[bflag:$0x3] =	sbarrier.arrive $0xFFFF  }
0x6f: {  	_ =	shalt  }

// kernel: kernel.20.cloned.1.call-start
scs
__scs_entry_jumppad:
0x0: {  	(pc) =	sbr.rel $0x88, $3  }
0x1: {  	(tag) =	ssettag $0x0;
	lr =	simm.s32 $0x1  }
0x2: {  	[smem:$0x3F99] =	sst lr;
	_ =	strace $0xD0000000  }
0x3: {  	_ = 	snop  }
0x4: {  	_ = 	snop  }
0x5: {  	_ = 	snop  }
0x6: {  	_ = 	snop  }
0x7: {  	_ = 	snop  }
__scs_overlays_trampoline_lowered:
0x8: {  	[smem:$0x3FA8] =	sst s0  }
0x9: {  	[smem:$0x3FA9] =	sst s1  }
0xa: {  	[smem:$0x3FAA] =	sst s2  }
0xb: {  	[smem:$0x3FAB] =	sst s3  }
0xc: {  	[smem:$0x3FAC] =	sst s4  }
0xd: {  	[smem:$0x3FAD] =	sst s5  }
0xe: {  	[smem:$0x3FAE] =	sst s6  }
0xf: {  	[smem:$0x3FAF] =	sst s7  }
0x10: {  	[smem:$0x3FB0] =	sst s8  }
0x11: {  	[smem:$0x3FB1] =	sst s9;
	s0 =	simm.s32 @!p0 $0x0  }
0x12: {  	s1 =	sld [smem:$0x3F97];
	s0 =	simm.s32 @p0 $0x1  }
0x13: {  	[smem:$0x3FB2] =	sst s0;
	s0 =	simm.s32 @!p1 $0x0  }
0x14: {  	s2 =	sld [smem:$0x3F96];
	s0 =	simm.s32 @p1 $0x1  }
0x15: {  	[smem:$0x3FB3] =	sst s0;
	s0 =	simm.s32 @!p2 $0x0  }
0x16: {  	s3 =	sld [smem:$0x3FDB];
	s0 =	simm.s32 @p2 $0x1  }
0x17: {  	s4 =	simm.s32 $0x1BF5;
	[smem:$0x3FB5] =	sst s0  }
0x18: {  	s0 =	sld [smem:$0x3F98];
	_ =	swait.ge [sflag:s4], $0x0  }
0x19: {  	s7 =	sld [smem:$0x3F99]  }
0x1a: {  	s8 =	sadd.s32 $0xFFFFE003, lr  }
0x1b: {  	s9 =	sadd.s32 $0xFFFFFEF7, lr;
	s5 =	simm.s32 $0xFFFFFFFF;
	p2 =	slt.u32 s8, $0xFFFFF086  }
0x1c: {  	p1 =	slt.u32 s9, $0xF7A;
	s5 =	simm.s32 @!p2 $0x0  }
0x1d: {  	s5 =	simm.s32 @p1 $0x1;
	p0 =	seq.s32 s7, s2  }
0x1e: {  	s7 =	smul.u32 @!p0 $0xF7A, s2;
	p2 =	seq.s32 @!p0 s5, $0x0  }
0x1f: {  	s9 =	smul.u32 $0xF7A, s1;
	s8 =	simm.s32 @!p0 $0x1BF5;
	p2 =	por !p2, p0  }
0x20: {  	[sflag:s8] =	ssyncset.s32 @!p0 $0xFFFFF086;
	s6 =	sadd.s32 @!p0 s3, s7;
	s7 =	simm.s32 @!p0 $0x108  }
0x21: {  	s3 =	sadd.s32 s3, s9;
	s6 =	sadd.s32 @!p0 $0x88, s6;
	s7 =	simm.s32 @p2 $0x1082  }
0x22: {  	[simem:s7], [sflag:s8] =	dma.local @!p0 [hbm:s6], $0xF7A  }
0x23: {  	s9 =	sor.u32 $0xD0000000, s2;
	s6 =	simm.s32 $0x108;
	_ =	swait.ge @!p0 [sflag:s8], $0x0  }
0x24: {  	s3 =	sadd.s32 $0x88, s3;
	s6 =	simm.s32 @!p1 $0x1082;
	[sflag:s4] =	ssyncset.s32 $0xFFFFF086  }
0x25: {  	[simem:s6], [sflag:s4] =	dma.local [hbm:s3], $0xF7A  }
0x26: {  	[smem:$0x3F99] =	sst s1;
	(tag) =	ssettag s2;
	_ =	strace s9  }
0x27: {  	s1 =	sld [smem:$0x3FA9]  }
0x28: {  	s2 =	sld [smem:$0x3FAA]  }
0x29: {  	s4 =	sld [smem:$0x3FAC]  }
0x2a: {  	p0 =	seq.s32 s5, $0x0;
	s5 =	sld [smem:$0x3FAD]  }
0x2b: {  	s6 =	sld [smem:$0x3FAE]  }
0x2c: {  	s7 =	sld [smem:$0x3FAF]  }
0x2d: {  	s3 =	simm.s32 $0x108;
	s8 =	sld [smem:$0x3FB0]  }
0x2e: {  	s3 =	simm.s32 @!p0 $0x1082;
	s9 =	sld [smem:$0x3FB1]  }
0x2f: {  	lr =	sadd.s32 s0, s3;
	s0 =	sld [smem:$0x3FA8]  }
0x30: {  	s3 =	sld [smem:$0x3FAB]  }
0x31: {  	[smem:$0x3FB4] =	sst s10  }
0x32: {  	s10 =	sld [smem:$0x3FB2];
	_ =	sdelay $0x3  }
0x33: {  	p0 =	seq.s32 s10, $0x1;
	s10 =	sld [smem:$0x3FB4];
	_ =	sdelay $0x3  }
0x34: {  	[smem:$0x3FB4] =	sst s10  }
0x35: {  	s10 =	sld [smem:$0x3FB3];
	_ =	sdelay $0x3  }
0x36: {  	p1 =	seq.s32 s10, $0x1;
	s10 =	sld [smem:$0x3FB4];
	_ =	sdelay $0x3  }
0x37: {  	[smem:$0x3FB4] =	sst s10  }
0x38: {  	s10 =	sld [smem:$0x3FB5]  }
0x39: {  	_ = 	snop;
	(pc) =	sbr.ind lr, $3  }
0x3a: {  	_ = 	snop  }
0x3b: {  	_ = 	snop  }
0x3c: {  	p2 =	seq.s32 s10, $0x1;
	s10 =	sld [smem:$0x3FB4]  }
0x3d: {  	_ =	shalt  }
0x3e: {  	_ =	shalt  }
0x3f: {  	_ =	shalt  }
0x40: {  	_ =	shalt  }
0x41: {  	_ =	shalt  }
0x42: {  	_ =	shalt  }
0x43: {  	_ =	shalt  }
0x44: {  	_ =	shalt  }
0x45: {  	_ =	shalt  }
0x46: {  	_ =	shalt  }
0x47: {  	_ =	shalt  }
0x48: {  	_ =	shalt  }
0x49: {  	_ =	shalt  }
0x4a: {  	_ =	shalt  }
0x4b: {  	_ =	shalt  }
0x4c: {  	_ =	shalt  }
0x4d: {  	_ =	shalt  }
0x4e: {  	_ =	shalt  }
0x4f: {  	_ =	shalt  }
0x50: {  	_ =	shalt  }
0x51: {  	_ =	shalt  }
0x52: {  	_ =	shalt  }
0x53: {  	_ =	shalt  }
0x54: {  	_ =	shalt  }
0x55: {  	_ =	shalt  }
0x56: {  	_ =	shalt  }
0x57: {  	_ =	shalt  }
0x58: {  	_ =	shalt  }
0x59: {  	_ =	shalt  }
0x5a: {  	_ =	shalt  }
0x5b: {  	_ =	shalt  }
0x5c: {  	_ =	shalt  }
0x5d: {  	_ =	shalt  }
0x5e: {  	_ =	shalt  }
0x5f: {  	_ =	shalt  }
0x60: {  	_ =	shalt  }
0x61: {  	_ =	shalt  }
0x62: {  	_ =	shalt  }
0x63: {  	_ =	shalt  }
0x64: {  	_ =	shalt  }
0x65: {  	_ =	shalt  }
0x66: {  	_ =	shalt  }
0x67: {  	_ =	shalt  }
0x68: {  	_ =	shalt  }
0x69: {  	_ =	shalt  }
0x6a: {  	_ =	shalt  }
0x6b: {  	_ =	shalt  }
0x6c: {  	_ =	shalt  }
0x6d: {  	_ =	shalt  }
0x6e: {  	_ =	shalt  }
0x6f: {  	_ =	shalt  }
0x70: {  	_ =	shalt  }
0x71: {  	_ =	shalt  }
0x72: {  	_ =	shalt  }
0x73: {  	_ =	shalt  }
0x74: {  	_ =	shalt  }
0x75: {  	_ =	shalt  }
0x76: {  	_ =	shalt  }
0x77: {  	_ =	shalt  }
0x78: {  	_ =	shalt  }
0x79: {  	_ =	shalt  }
0x7a: {  	_ =	shalt  }
0x7b: {  	_ =	shalt  }
0x7c: {  	_ =	shalt  }
0x7d: {  	_ =	shalt  }
0x7e: {  	_ =	shalt  }
0x7f: {  	_ =	shalt  }
0x80: {  	_ =	shalt  }
0x81: {  	_ =	shalt  }
0x82: {  	_ =	shalt  }
0x83: {  	_ =	shalt  }
0x84: {  	_ =	shalt  }
0x85: {  	_ =	shalt  }
0x86: {  	_ =	shalt  }
0x87: {  	_ =	shalt  }
.Lfunc_end0:
.L_simem_size_0:
called_computation.3_lowered:
.L_overlay_start_0:
0x88: {  	s2 =	sld [smem:$0x3FD9]  }
0x89: {  	s3 =	sld [smem:$0x3FFE];
	_ =	sdelay $0x1  }
0x8a: {  	s1 =	srdreg.scid  }
0x8b: {  	s0 =	sand.u32 $0x1, s1  }
0x8c: {  	s17 =	sshll.u32 s0, $0xA;
	s2 =	sadd.s32 s3, s2  }
0x8d: {  	s2 =	sadd.s32 s2, s17  }
0x8e: {  	[smem:$0x3FC0] =	sst s2  }
0x8f: {  	_ = 	snop  }
0x90: {  	s2 =	sld [smem:$0x3FD0];
	(tm) =	ssettm $0x1  }
0x91: {  	s18 =	sld [smem:$0x3FFB];
	_ =	sdelay $0x3  }
0x92: {  	_ =	strace s18  }
0x93: {  	s3 =	sld [smem:$0x3FFC];
	_ =	sdelay $0x3  }
0x94: {  	_ =	strace s3  }
0x95: {  	s3 =	sld [smem:$0x3FFD];
	_ =	sdelay $0x3  }
0x96: {  	_ =	strace s3  }
0x97: {  	_ =	strace $0x8FFFFFFF  }
0x98: {  	s19 =	sld [smem:$0x3FDB];
	_ =	sdelay $0x1  }
0x99: {  	s4 =	simm.s32 $_scs_section_size  }
0x9a: {  	s5 =	simm.s32 $_size__tile_overlayer_lowered;
	s6 =	simm.s32 $_tile_overlayer_lowered  }
0x9b: {  	s22 =	simm.s32 $0x1BFF;
	s21 =	sshll.u32 s6, $0x1;
	s3 =	sadd.s32 s4, s19  }
0x9c: {  	s7 =	simm.s32 $0x0;
	s20 =	sshll.u32 s5, $0x1;
	s5 =	sadd.s32 s21, s3  }
0x9d: {  	[timem:s7], [sflag:s22] =	dma.local [hbm:s5], s20  }
0x9e: {  	_ =	swait.ge [sflag:s22], s20  }
0x9f: {  	s4 =	ssub.s32 $0x0, s20;
	[sflag:s22] =	ssyncset.done $0x0  }
0xa0: {  	[sflag:s22] =	ssyncadd.s32 s4;
	_ =	sdelay $0x1  }
0xa1: {  	s23 =	simm.s32 $0x1B8B  }
0xa2: {  	_ =	swait.ge [sflag:s23], $0x1  }
0xa3: {  	[sflag:s23] =	ssyncset.done $0x0  }
0xa4: {  	s25 =	simm.s32 $0x1B8E;
	s24 =	sld [smem:$0x3FFE];
	[sflag:s23] =	ssyncadd.s32 $0xFFFFFFFF  }
0xa5: {  	s26 =	simm.s32 $execute0_lowered;
	[smem:$0x3FD2] =	sst s25  }
0xa6: {  	s5 =	sshll.u32 s26, $0x1;
	_ =	strace $0x8000004F;
	[dreg:$0x1] =	wrdreg $0xFFFFFFFF  }
0xa7: {  	s28 =	simm.s32 $_size_execute0_lowered;
	s3 =	sadd.s32 s3, s5;
	[dreg:$0x0] =	wrdreg $0x0  }
0xa8: {  	s5 =	sshll.u32 s28, $0x1;
	[dreg:$0x2] =	wrdreg s3  }
0xa9: {  	[dreg:$0x3] =	wrdreg s5  }
0xaa: {  	[dreg:$0x4] =	wrdreg $0xC0  }
0xab: {  	_ =	task [dreg:s7], $0x5FFFF  }
0xac: {  	[dreg:$0x1] =	wrdreg $0xFFFFFFFF  }
0xad: {  	[dreg:$0x0] =	wrdreg $0x60  }
0xae: {  	[dreg:$0x2] =	wrdreg s24  }
0xaf: {  	[dreg:$0x3] =	wrdreg s2  }
0xb0: {  	[dreg:$0x4] =	wrdreg $0x32000  }
0xb1: {  	[dreg:$0x5] =	wrdreg $0x9  }
0xb2: {  	_ =	task.clear_ibuf [dreg:s7], $0x6FFFF;
	_ =	strace $0x9000004F  }
0xb3: {  	s29 =	simm.s32 $0x9;
	_ =	strace $0x80000051  }
0xb4: {  	_ =	swait.ge [sflag:s29], $0x1  }
0xb5: {  	[sflag:s29] =	ssyncadd.s32 $0xFFFFFFFF  }
0xb6: {  	_ =	strace $0x90000051  }
0xb7: {  	_ =	sfence  }
0xb8: {  	s30 =	sld [smem:$0x0];
	_ =	sdelay $0x2  }
0xb9: {  	s31 =	sshll.u32 s1, $0xD;
	s1 =	sshrl.u32 s1, $0x2  }
0xba: {  	s3 =	sand.u32 $0x4000, s31;
	s1 =	sadd.s32 s1, s30  }
0xbb: {  	s0 =	sor.u32 s3, s0;
	s1 =	sshll.u32 s1, $0x11  }
0xbc: {  	s0 =	sor.u32 s1, s0  }
0xbd: {  	s0 =	sadd.s32 $0x8F2B, s0  }
0xbe: {  	[sflag:s0] =	ssyncadd.remote.s32 $0x1  }
0xbf: {  	_ =	sfence.sel $0xFFFF  }
0xc0: {  	[dreg:$0x0] =	wrdreg $0xFFFFFFFF;
	(pc) =	sbr.abs _section_cstart, $3  }
0xc1: {  	[dreg:$0x1] =	wrdreg $0xFFFFFFFF  }
0xc2: {  	_ =	task.clear_ibuf [dreg:s7], $0x2FFFF;
	_ =	strace $0x9FFFFFFF  }
0xc3: {  	(tm) =	ssettm $0x7FFFFFFF  }
tec
execute0_lowered:
.L_overlay_start_1:
0x0: {  	(tag) =	ssettag $0x1  }
0x1: {  	s6 =	rddreg [dreg:$0x0]  }
0x2: {  	s2 =	rddreg [dreg:$0x1]  }
0x3: {  	s3 =	rddreg [dreg:$0x2]  }
0x4: {  	s0 =	rddreg [dreg:$0x3];
	s5 =	srdreg.scid  }
0x5: {  	s1 =	stileid.u32;
	s4 =	simm.s32 $0x0;
	s16 =	simm.s32 $0x100  }
0x6: {  	s17 =	simm.s32 $0x4;
	s18 =	simm.s32 $0x1A00;
	s19 =	simm.s32 $0x1  }
0x7: {  	s20 =	simm.s32 $0x3;
	s21 =	simm.s32 $0x2;
	s8 =	smul.u32 $0xF00, s1  }
0x8: {  	s22 =	simm.s32 $0x180;
	s7 =	sand.u32 $0x1, s5;
	s11 =	smul.u32 $0x1E000, s1  }
0x9: {  	[smem:$0x7FF] =	sst s4;
	s5 =	sadd.s32 $0x20E00, s6;
	s31 =	smul.u32 $0x9E0, s1  }
0xa: {  	s10 =	sadd.s32 $0xD000, s6;
	s28 =	sshll.u32 s1, $0x6;
	s9 =	smul.u32 $0xF000, s7  }
0xb: {  	_ =	strace $0x80000050;
	s23 =	sshll.u32 s7, $0x4;
	s24 =	ssub.s32 $0x2, s7  }
0xc: {  	s30 =	smul.u32 $0x9E00, s7;
	s25 =	sor.u32 s1, s23;
	s26 =	sshrl.u32 s24, $0x1  }
0xd: {  	s11 =	sshrl.u32 s11, $0x2;
	s23 =	simm.s32 $0x0;
	s8 =	sadd.s32 s8, s9  }
0xe: {  	s13 =	smul.u32 $0x4F00, s25;
	s14 =	ssub.s32 s24, s26;
	s15 =	sadd.s32 s11, s3  }
0xf: {  	s11 =	sadd.s32 s30, s10;
	s12 =	sadd.s32 s8, s6;
	s8 =	smul.u32 $0x9E0, s25  }
0x10: {  	s6 =	sor.u32 $0x1C05, s28;
	s11 =	sadd.s32 s31, s11;
	s29 =	sshrl.u32 s13, $0x3  }
0x11: {  	s13 =	simm.s32 $0x5;
	s9 =	sadd.s32 s10, s29;
	s7 =	sadd.s32 s10, s8  }
0x12: {  	s10 =	smax.u32 s14, $0x1;
	s14 =	simm.s32 $0x80;
	s8 =	sadd.s32 $0x20, s9  }
0x13: {  	s9 =	sadd.s32 $0x2FA00, s12;
	s12 =	sshrl.u32 s15, $0x3;
	s15 =	simm.s32 $0x200  }
.LBB2_1:
0x14: {  	[spmem:s12], [sflag:s6] =	dma.local [hbm:s2], $0xF00  }
0x15: {  	_ =	swait.ge [sflag:s13], $0xF00  }
0x16: {  	[sflag:s13] =	ssyncset.done $0x0  }
0x17: {  	[sflag:s13] =	ssyncadd.s32 $0xFFFFF100  }
0x18: {  	[bflag:$0x0] =	sbarrier.arrive $0xFFFF  }
0x19: {  	[tilespmem:s4], [sflag:$0x5] =	stream.linear.gather [hbm4b:s7+s4], $0x100, $0x38;
	[tilespmem:$0xAA00] =	vst v63  }
0x1a: {  	_ =	swait.ge [sflag:s13], $0x100  }
0x1b: {  	[sflag:s13] =	ssyncset.done $0x0  }
0x1c: {  	[sflag:s13] =	ssyncadd.s32 $0xFFFFFF00  }
0x1d: {  	[tilespmem:s15], [sflag:$0x1] =	stream.indirect.gather [hbm4b:s5+s14], $0x30, s4, s14, $0xb8;
	[tilespmem:$0xAA00] =	vst v63  }
0x1e: {  	_ = 	snop  }
0x1f: {  	[tilespmem:s16], [sflag:$0x4] =	stream.linear.gather [hbm4b:s8+s4], $0x100, $0x38;
	[tilespmem:$0xAA00] =	vst v63  }
0x20: {  	_ =	swait.ge [sflag:s17], $0x100  }
0x21: {  	[sflag:s17] =	ssyncset.done $0x0  }
0x22: {  	[sflag:s17] =	ssyncadd.s32 $0xFFFFFF00  }
0x23: {  	[tilespmem:s18], [sflag:$0x2] =	stream.indirect.gather [hbm4b:s5+s14], $0x30, s16, s14, $0xb8;
	[tilespmem:$0xAA00] =	vst v63  }
0x24: {  	_ =	swait.ge [sflag:s19], $0x1800  }
0x25: {  	[sflag:s19] =	ssyncset.done $0x0  }
0x26: {  	[sflag:s19] =	ssyncadd.s32 $0xFFFFE800  }
0x27: {  	[spmem:s3] =	stream.indirect.scatter.add.f32 [tilespmem:s15], [sflag:$0x5], $0x30, s14, s14, $0xb8;
	[tilespmem:$0xAA00] =	vst v63  }
0x28: {  	_ =	swait.ge [sflag:s13], $0x1800  }
0x29: {  	s25 =	sadd.s32 $0xFFFFF640, s11;
	[sflag:s13] =	ssyncset.done $0x0  }
0x2a: {  	s24 =	sadd.s32 $0xA00, s25;
	[sflag:s13] =	ssyncadd.s32 $0xFFFFE800  }
0x2b: {  	[tilespmem:s4], [sflag:$0x3] =	stream.linear.gather [hbm4b:s24+s4], $0x100, $0x38;
	[tilespmem:$0xAA00] =	vst v63  }
0x2c: {  	_ =	swait.ge [sflag:s20], $0x100  }
0x2d: {  	[sflag:s20] =	ssyncset.done $0x0  }
0x2e: {  	[sflag:s20] =	ssyncadd.s32 $0xFFFFFF00  }
0x2f: {  	[tilespmem:s15], [sflag:$0x1] =	stream.indirect.gather [hbm4b:s5+s14], $0x30, s4, s14, $0xb8;
	[tilespmem:$0xAA00] =	vst v63  }
0x30: {  	_ =	swait.ge [sflag:s21], $0x1800  }
0x31: {  	[sflag:s21] =	ssyncset.done $0x0  }
0x32: {  	[sflag:s21] =	ssyncadd.s32 $0xFFFFE800  }
0x33: {  	[spmem:s3] =	stream.indirect.scatter.add.f32 [tilespmem:s18], [sflag:$0x5], $0x30, s22, s14, $0xb8;
	[tilespmem:$0xAA00] =	vst v63  }
0x34: {  	_ =	swait.ge [sflag:s13], $0x1800  }
0x35: {  	[sflag:s13] =	ssyncset.done $0x0  }
0x36: {  	s25 =	sadd.s32 $0xA20, s25;
	s24 =	simm.s32 $0xFFFFF680;
	[sflag:s13] =	ssyncadd.s32 $0xFFFFE800  }
.LBB2_2:
0x37: {  	[tilespmem:s16], [sflag:$0x4] =	stream.linear.gather [hbm4b:s25+s4], $0x100, $0x38;
	[tilespmem:$0xAA00] =	vst v63  }
0x38: {  	s25 =	smov.u32 s24  }
0x39: {  	p0 =	sne.s32 s24, $0xFFFFFFC0;
	s24 =	sadd.s32 $0x40, s24;
	_ =	swait.ge [sflag:s17], $0x100  }
0x3a: {  	[sflag:s17] =	ssyncset.done $0x0  }
0x3b: {  	[sflag:s17] =	ssyncadd.s32 $0xFFFFFF00  }
0x3c: {  	[tilespmem:s18], [sflag:$0x2] =	stream.indirect.gather [hbm4b:s5+s14], $0x30, s16, s14, $0xb8;
	[tilespmem:$0xAA00] =	vst v63  }
0x3d: {  	_ =	swait.ge [sflag:s19], $0x1800  }
0x3e: {  	[sflag:s19] =	ssyncset.done $0x0  }
0x3f: {  	[sflag:s19] =	ssyncadd.s32 $0xFFFFE800  }
0x40: {  	[spmem:s3] =	stream.indirect.scatter.add.f32 [tilespmem:s15], [sflag:$0x5], $0x30, s14, s14, $0xb8;
	[tilespmem:$0xAA00] =	vst v63  }
0x41: {  	_ =	swait.ge [sflag:s13], $0x1800  }
0x42: {  	s25 =	sadd.s32 s25, s11;
	[sflag:s13] =	ssyncset.done $0x0  }
0x43: {  	s26 =	sadd.s32 $0xA00, s25;
	[sflag:s13] =	ssyncadd.s32 $0xFFFFE800  }
0x44: {  	[tilespmem:s4], [sflag:$0x3] =	stream.linear.gather [hbm4b:s26+s4], $0x100, $0x38;
	[tilespmem:$0xAA00] =	vst v63  }
0x45: {  	_ =	swait.ge [sflag:s20], $0x100  }
0x46: {  	[sflag:s20] =	ssyncset.done $0x0  }
0x47: {  	[sflag:s20] =	ssyncadd.s32 $0xFFFFFF00  }
0x48: {  	[tilespmem:s15], [sflag:$0x1] =	stream.indirect.gather [hbm4b:s5+s14], $0x30, s4, s14, $0xb8;
	[tilespmem:$0xAA00] =	vst v63  }
0x49: {  	_ =	swait.ge [sflag:s21], $0x1800  }
0x4a: {  	[sflag:s21] =	ssyncset.done $0x0  }
.Ltmp0:
0x4b: {  	[sflag:s21] =	ssyncadd.s32 $0xFFFFE800;
	(pc) =	sbr.rel @p0 .LBB2_2-.Ltmp0, $4  }
0x4c: {  	[spmem:s3] =	stream.indirect.scatter.add.f32 [tilespmem:s18], [sflag:$0x5], $0x30, s22, s14, $0xb8;
	[tilespmem:$0xAA00] =	vst v63  }
0x4d: {  	_ =	swait.ge [sflag:s13], $0x1800  }
0x4e: {  	[sflag:s13] =	ssyncset.done $0x0  }
0x4f: {  	s25 =	sadd.s32 $0xA20, s25;
	[sflag:s13] =	ssyncadd.s32 $0xFFFFE800  }
0x50: {  	[tilespmem:s16], [sflag:$0x4] =	stream.linear.gather [hbm4b:s25+s4], $0x100, $0x38;
	[tilespmem:$0xAA00] =	vst v63  }
0x51: {  	_ =	swait.ge [sflag:s19], $0x1800  }
0x52: {  	[sflag:s19] =	ssyncset.done $0x0  }
0x53: {  	[sflag:s19] =	ssyncadd.s32 $0xFFFFE800  }
0x54: {  	[spmem:s3] =	stream.indirect.scatter.add.f32 [tilespmem:s15], [sflag:$0x5], $0x30, s14, s14, $0xb8;
	[tilespmem:$0xAA00] =	vst v63  }
0x55: {  	_ =	swait.ge [sflag:s13], $0x1800  }
0x56: {  	[sflag:s13] =	ssyncset.done $0x0  }
0x57: {  	[sflag:s13] =	ssyncadd.s32 $0xFFFFE800  }
0x58: {  	_ =	swait.ge [sflag:s17], $0x100  }
0x59: {  	s23 =	sadd.s32 $0x1, s23;
	[sflag:s17] =	ssyncset.done $0x0  }
0x5a: {  	p0 =	sne.s32 s23, s10;
	[sflag:s17] =	ssyncadd.s32 $0xFFFFFF00  }
.Ltmp1:
0x5b: {  	[bflag:$0x0] =	sbarrier.arrive $0xFFFF;
	(pc) =	sbr.rel @p0 .LBB2_1-.Ltmp1, $4  }
0x5c: {  	[hbm:s9], [sflag:s6] =	dma.local [spmem:s12], $0xF00  }
0x5d: {  	_ =	swait.ge [sflag:s13], $0xF00  }
0x5e: {  	[sflag:s13] =	ssyncset.done $0x0  }
0x5f: {  	[sflag:s13] =	ssyncadd.s32 $0xFFFFF100  }
0x60: {  	_ =	sfence.sel $0x180000  }
0x61: {  	[bflag:$0x0] =	sbarrier.arrive $0xFFFF  }
0x62: {  	p0 =	sne.s32 s1, $0x0;
	_ =	strace $0x90000050  }
0x63: {  	s0 =	sadd.s32 @!p0 $0x100000, s0;
	[bflag:$0x2] =	sbarrier.arrive $0xFFFF  }
0x64: {  	[sflag:s0] =	ssyncadd.tile.s32 @!p0 $0x1;
	_ =	shalt  }
.Lfunc_end2:
_tile_overlayer_lowered:
.L_overlay_start_2:
0x65: {  	(tag) =	ssettag $0x2  }
0x66: {  	s0 =	rddreg [dreg:$0x0];
	s2 =	stileid.u32  }
0x67: {  	s1 =	rddreg [dreg:$0x1];
	p0 =	sne.s32 s2, $0x0  }
0x68: {  	s3 =	rddreg [dreg:$0x2];
	[bflag:$0x3] =	sbarrier.arrive $0xFFFF;
	s2 =	simm.s32 @!p0 $0x1C05  }
0x69: {  	[timem:s3], [sflag:s2] =	dma.local @!p0 [hbm:s0], s1  }
0x6a: {  	s0 =	simm.s32 @!p0 $0x5  }
0x6b: {  	_ =	swait.ge @!p0 [sflag:s0], s1  }
0x6c: {  	s1 =	ssub.s32 @!p0 $0x0, s1;
	[sflag:s0] =	ssyncset.done @!p0 $0x0  }
0x6d: {  	[sflag:s0] =	ssyncadd.s32 @!p0 s1  }
0x6e: {  	[bflag:$0x3] =	sbarrier.arrive $0xFFFF  }
0x6f: {  	_ =	shalt  }

</sc_bundles>
